<compile_context>
chip_gen: v7x
topology: tpu7x:2x2x1
jax: 0.10.2.dev20260603
libtpu: 0.0.44.dev20260713+nightly
codegen_flags: <defaults>
</compile_context>

<pallas_src>
import jax
import jax.numpy as jnp
from jax import lax
from jax.experimental import pallas as pl
from jax.experimental.pallas import tpu as pltpu
from jax.experimental.pallas import tpu_sc as plsc

_NC = 2
_NS = 16
_NW = _NC * _NS
_CH = 128


def _sc_gather_call(pids4d, table2):
    nw, nch, _, ch = pids4d.shape
    per_w = nch * ch
    bs = nw * per_w
    assert nch % 2 == 0

    nbuf = 5
    assert nch % nbuf == 0

    def body(ids_hbm, table_hbm, out_hbm, idx_v, rows, gs, ss):
        wid = lax.axis_index("s") * _NC + lax.axis_index("c")
        pltpu.sync_copy(ids_hbm.at[wid], idx_v)

        def gather(j, b):
            pltpu.async_copy(table_hbm.at[idx_v.at[j, 0]], rows[b], gs[b])

        def wait_gather(j, b):
            pltpu.make_async_copy(table_hbm.at[idx_v.at[j, 0]], rows[b], gs[b]).wait()

        def out_slice(j):
            return out_hbm.at[pl.ds(wid * per_w + j * ch, ch)]

        def scatter(j, b):
            pltpu.async_copy(rows[b], out_slice(j), ss[b])

        def wait_scatter(j, b):
            pltpu.make_async_copy(rows[b], out_slice(j), ss[b]).wait()

        for b in range(3):
            gather(b, b)

        def group(g, carry):
            for b in range(nbuf):
                j = nbuf * g + b
                wait_gather(j, b)
                scatter(j, b)
                bn = (b + 3) % nbuf

                @pl.when(j + 3 < nch)
                def _():
                    @pl.when(j >= 2)
                    def _():
                        wait_scatter(j - 2, bn)

                    gather(j + 3, bn)

            return carry

        lax.fori_loop(0, nch // nbuf, group, 0)
        for b in range(nbuf):
            wait_scatter(nch - nbuf + b, b)

    grid_kernel = pl.kernel(
        body,
        out_type=jax.ShapeDtypeStruct((bs, 128), jnp.float32),
        mesh=plsc.VectorSubcoreMesh(core_axis_name="c", subcore_axis_name="s"),
        compiler_params=pltpu.CompilerParams(use_tc_tiling_on_sc=False),
        scratch_types=[
            pltpu.VMEM((nch, 1, ch), jnp.int32),
            [pltpu.VMEM((ch, 128), jnp.float32) for _ in range(5)],
            [pltpu.SemaphoreType.DMA for _ in range(5)],
            [pltpu.SemaphoreType.DMA for _ in range(5)],
        ],
    )
    return grid_kernel(pids4d, table2)


def _tc_fused(g_ref, ids_ref, pos_ref, wt_ref, gamma_ref, beta_ref, out_ref):
    bb, s = ids_ref.shape
    d = wt_ref.shape[0]
    h = out_ref.shape[-1]
    t = bb * s
    g3 = g_ref[...].reshape(bb, s, 128)
    ids3 = ids_ref[...][..., None]
    odd = (ids3 & 1) != 0
    half = jnp.where(odd, g3[..., d:], g3[..., :d])
    x = (half * (ids3 != 0).astype(jnp.float32)).reshape(t, d)
    y = jnp.dot(x, wt_ref[...], preferred_element_type=jnp.float32)
    y = y.reshape(bb, s, h) + pos_ref[...][None]
    mu = jnp.mean(y, axis=-1, keepdims=True)
    dlt = y - mu
    var = jnp.mean(dlt * dlt, axis=-1, keepdims=True)
    xn = dlt * lax.rsqrt(var + 1e-5)
    out_ref[...] = xn * gamma_ref[...].reshape(1, 1, h) + beta_ref[...].reshape(1, 1, h)


def _tc_call(g2, ids, pos, wt, gamma2, beta2, bb):
    b, s = ids.shape
    d, h = wt.shape
    t = bb * s
    grid = (b // bb,)
    return pl.pallas_call(
        _tc_fused,
        grid=grid,
        in_specs=[
            pl.BlockSpec((t, 128), lambda i: (i, 0)),
            pl.BlockSpec((bb, s), lambda i: (i, 0)),
            pl.BlockSpec((s, h), lambda i: (0, 0)),
            pl.BlockSpec((d, h), lambda i: (0, 0)),
            pl.BlockSpec((1, h), lambda i: (0, 0)),
            pl.BlockSpec((1, h), lambda i: (0, 0)),
        ],
        out_specs=pl.BlockSpec((bb, s, h), lambda i: (i, 0, 0)),
        out_shape=jax.ShapeDtypeStruct((b, s, h), jnp.float32),
    )(g2, ids, pos, wt, gamma2, beta2)


def kernel(input_ids, word_table, pos_table, W_proj, gamma, beta):
    b, s = input_ids.shape
    v, d = word_table.shape
    h = pos_table.shape[1]
    ids = input_ids.astype(jnp.int32)
    bs = b * s
    nch = bs // (_NW * _CH)
    pids4d = lax.shift_right_logical(ids, 1).reshape(_NW, nch, 1, _CH)
    table2 = word_table.reshape(v // 2, 2 * d)
    gathered = _sc_gather_call(pids4d, table2)
    out = _tc_call(
        gathered,
        ids,
        pos_table[:s],
        W_proj.T,
        gamma.reshape(1, h),
        beta.reshape(1, h),
        bb=16,
    )
    return out

# --- scband reference (transcript-rebuilt; emitter-appended) ---
"""Pipeline reference for scband-factorized-embeddings-78838419685797 (READ-ONLY COPY).

The authoritative reference and input builder live on the scoring server;
editing this copy changes nothing except your own understanding.
"""

import jax, jax.numpy as jnp
import numpy as np

VOCAB = 1000000
EMBED_DIM = 64
HIDDEN_DIM = 256
MAX_POS = 512
BATCH = 1024
SEQ = 200


def setup_inputs(seed: int = 0) -> dict:
    key = jax.random.key(seed)
    k1, k2, k3, k4 = jax.random.split(key, 4)
    input_ids = jax.random.randint(k1, (BATCH, SEQ), 0, VOCAB, dtype=jnp.int64 if jax.config.jax_enable_x64 else jnp.int32)
    word_table = jax.random.normal(k2, (VOCAB, EMBED_DIM), dtype=jnp.float32) * 0.02
    pos_table = jax.random.normal(k3, (MAX_POS, HIDDEN_DIM), dtype=jnp.float32) * 0.02
    W_proj = jax.random.normal(k4, (HIDDEN_DIM, EMBED_DIM), dtype=jnp.float32) * (1.0 / np.sqrt(EMBED_DIM))
    gamma = jnp.ones((HIDDEN_DIM,), dtype=jnp.float32)
    beta = jnp.zeros((HIDDEN_DIM,), dtype=jnp.float32)
    return {
        "input_ids": input_ids,
        "word_table": word_table,
        "pos_table": pos_table,
        "W_proj": W_proj,
        "gamma": gamma,
        "beta": beta,
    }


def reference(input_ids, word_table, pos_table, W_proj, gamma, beta):
    seq_len = input_ids.shape[1]
    # padding_idx=0: row 0 of the word embedding table is forced to zero
    wt = word_table.at[0].set(0.0)
    # word embedding lookup at embed_dim, then project up to hidden_dim
    word_emb = jnp.take(wt, input_ids, axis=0)          # [B, S, embed_dim]
    word_emb = word_emb @ W_proj.T                       # [B, S, hidden_dim]
    # position embeddings directly at hidden_dim
    pos_emb = pos_table[:seq_len][None, :, :]            # [1, S, hidden_dim]
    x = word_emb + pos_emb
    # LayerNorm over last dim (eps=1e-5)
    mu = jnp.mean(x, axis=-1, keepdims=True)
    var = jnp.mean((x - mu) ** 2, axis=-1, keepdims=True)
    xn = (x - mu) * jax.lax.rsqrt(var + 1e-5)
    out = xn * gamma + beta
    # dropout is identity in eval mode
    return out

if __name__ == "__main__":
    import jax
    _d = setup_inputs()
    print(jax.jit(kernel)(*tuple(_d.values())))

</pallas_src>

<mosaic_0001>
#map = affine_map<(d0, d1) -> (0, 0, 0, 0)>
#map1 = affine_map<(d0, d1) -> (0, 0)>
module attributes {stable_mosaic.version = 14 : i64} {
  func.func @body(%arg0: i32, %arg1: i32, %arg2: memref<32x50x1x128xi32, #tpu.memory_space<hbm>>, %arg3: memref<500000x128xf32, #tpu.memory_space<hbm>>, %arg4: memref<204800x128xf32, #tpu.memory_space<hbm>>, %arg5: memref<50x1x128xi32, #tpu.memory_space<vmem>>, %arg6: memref<128x128xf32, #tpu.memory_space<vmem>>, %arg7: memref<128x128xf32, #tpu.memory_space<vmem>>, %arg8: memref<128x128xf32, #tpu.memory_space<vmem>>, %arg9: memref<128x128xf32, #tpu.memory_space<vmem>>, %arg10: memref<128x128xf32, #tpu.memory_space<vmem>>, %arg11: memref<!tpu.dma_semaphore, #tpu.memory_space<semaphore_mem>>, %arg12: memref<!tpu.dma_semaphore, #tpu.memory_space<semaphore_mem>>, %arg13: memref<!tpu.dma_semaphore, #tpu.memory_space<semaphore_mem>>, %arg14: memref<!tpu.dma_semaphore, #tpu.memory_space<semaphore_mem>>, %arg15: memref<!tpu.dma_semaphore, #tpu.memory_space<semaphore_mem>>, %arg16: memref<!tpu.dma_semaphore, #tpu.memory_space<semaphore_mem>>, %arg17: memref<!tpu.dma_semaphore, #tpu.memory_space<semaphore_mem>>, %arg18: memref<!tpu.dma_semaphore, #tpu.memory_space<semaphore_mem>>, %arg19: memref<!tpu.dma_semaphore, #tpu.memory_space<semaphore_mem>>, %arg20: memref<!tpu.dma_semaphore, #tpu.memory_space<semaphore_mem>>) attributes {dimension_semantics = [#tpu.dimension_semantics<core_parallel>, #tpu.dimension_semantics<subcore_parallel>], iteration_bounds = array<i64: 2, 16>, scalar_prefetch = 0 : i64, scratch_operands = 16 : i64, tpu.core_type = #tpu.core_type<sc_vector_subcore>, window_params = [{transform_indices = #map}, {transform_indices = #map1}, {transform_indices = #map1}]} {
    %mul3A = arith.constant 2 : i32
    %mul3A_0 = arith.muli %arg1, %mul3A : i32
    %add3A = arith.addi %mul3A_0, %arg0 : i32
    "tpu.region"() ({
      %run_scoped3A = tpu.sem_alloc : memref<!tpu.dma_semaphore, #tpu.memory_space<semaphore_mem>>
      %dma_start3A_68 = arith.constant 0 : i32
      %dma_start3A_69 = arith.constant 0 : i32
      %dma_start3A_70 = arith.constant 0 : i32
      %dma_start3A_71 = tpu.memref_slice %arg2[%add3A, %dma_start3A_68, %dma_start3A_69, %dma_start3A_70] : memref<32x50x1x128xi32, #tpu.memory_space<hbm>> -> memref<1x50x1x128xi32, #tpu.memory_space<hbm>>
      %dma_start3A_72 = tpu.memref_squeeze %dma_start3A_71 : memref<1x50x1x128xi32, #tpu.memory_space<hbm>> -> memref<50x1x128xi32, #tpu.memory_space<hbm>>
      %dma_start3A_73 = arith.constant 0 : i32
      %dma_start3A_74 = arith.constant 0 : i32
      %dma_start3A_75 = arith.constant 0 : i32
      %dma_start3A_76 = tpu.memref_slice %arg2[%add3A, %dma_start3A_73, %dma_start3A_74, %dma_start3A_75] : memref<32x50x1x128xi32, #tpu.memory_space<hbm>> -> memref<1x50x1x128xi32, #tpu.memory_space<hbm>>
      %dma_start3A_77 = tpu.memref_squeeze %dma_start3A_76 : memref<1x50x1x128xi32, #tpu.memory_space<hbm>> -> memref<50x1x128xi32, #tpu.memory_space<hbm>>
      tpu.enqueue_dma source(%dma_start3A_77 : memref<50x1x128xi32, #tpu.memory_space<hbm>>) target(%arg5 : memref<50x1x128xi32, #tpu.memory_space<vmem>>) target_semaphore(%run_scoped3A : memref<!tpu.dma_semaphore, #tpu.memory_space<semaphore_mem>>)
      %dma_wait3A_78 = arith.constant 0 : i32
      %dma_wait3A_79 = arith.constant 0 : i32
      %dma_wait3A_80 = arith.constant 0 : i32
      %dma_wait3A_81 = tpu.memref_slice %arg2[%add3A, %dma_wait3A_78, %dma_wait3A_79, %dma_wait3A_80] : memref<32x50x1x128xi32, #tpu.memory_space<hbm>> -> memref<1x50x1x128xi32, #tpu.memory_space<hbm>>
      %dma_wait3A_82 = tpu.memref_squeeze %dma_wait3A_81 : memref<1x50x1x128xi32, #tpu.memory_space<hbm>> -> memref<50x1x128xi32, #tpu.memory_space<hbm>>
      %dma_wait3A_83 = arith.constant 0 : i32
      %dma_wait3A_84 = arith.constant 0 : i32
      %dma_wait3A_85 = arith.constant 0 : i32
      %dma_wait3A_86 = tpu.memref_slice %arg2[%add3A, %dma_wait3A_83, %dma_wait3A_84, %dma_wait3A_85] : memref<32x50x1x128xi32, #tpu.memory_space<hbm>> -> memref<1x50x1x128xi32, #tpu.memory_space<hbm>>
      %dma_wait3A_87 = tpu.memref_squeeze %dma_wait3A_86 : memref<1x50x1x128xi32, #tpu.memory_space<hbm>> -> memref<50x1x128xi32, #tpu.memory_space<hbm>>
      tpu.wait_dma2 semaphore(%run_scoped3A : memref<!tpu.dma_semaphore, #tpu.memory_space<semaphore_mem>>) src(%dma_wait3A_87 : memref<50x1x128xi32, #tpu.memory_space<hbm>>) dst(%arg5 : memref<50x1x128xi32, #tpu.memory_space<vmem>>)
      tpu.yield
    }) : () -> ()
    %dma_start3A = arith.constant 0 : i32
    %dma_start3A_1 = arith.constant 0 : i32
    %dma_start3A_2 = arith.constant 0 : i32
    %dma_start3A_3 = tpu.memref_slice %arg5[%dma_start3A, %dma_start3A_1, %dma_start3A_2] : memref<50x1x128xi32, #tpu.memory_space<vmem>> -> memref<1x1x128xi32, #tpu.memory_space<vmem>>
    %dma_start3A_4 = tpu.memref_squeeze %dma_start3A_3 : memref<1x1x128xi32, #tpu.memory_space<vmem>> -> memref<128xi32, #tpu.memory_space<vmem>>
    %dma_start3A_5 = arith.constant 0 : i32
    %dma_start3A_6 = arith.constant 0 : i32
    %dma_start3A_7 = tpu.memref_slice %arg3[%dma_start3A_5, %dma_start3A_6] : memref<500000x128xf32, #tpu.memory_space<hbm>> -> memref<500000x128xf32, #tpu.memory_space<hbm>>
    tpu.enqueue_indirect_dma source(%dma_start3A_7 : memref<500000x128xf32, #tpu.memory_space<hbm>>) target(%arg6 : memref<128x128xf32, #tpu.memory_space<vmem>>) offsets(%dma_start3A_4 : memref<128xi32, #tpu.memory_space<vmem>>) semaphore(%arg11 : memref<!tpu.dma_semaphore, #tpu.memory_space<semaphore_mem>>)
    %dma_start3A_8 = arith.constant 1 : i32
    %dma_start3A_9 = arith.constant 0 : i32
    %dma_start3A_10 = arith.constant 0 : i32
    %dma_start3A_11 = tpu.memref_slice %arg5[%dma_start3A_8, %dma_start3A_9, %dma_start3A_10] : memref<50x1x128xi32, #tpu.memory_space<vmem>> -> memref<1x1x128xi32, #tpu.memory_space<vmem>>
    %dma_start3A_12 = tpu.memref_squeeze %dma_start3A_11 : memref<1x1x128xi32, #tpu.memory_space<vmem>> -> memref<128xi32, #tpu.memory_space<vmem>>
    %dma_start3A_13 = arith.constant 0 : i32
    %dma_start3A_14 = arith.constant 0 : i32
    %dma_start3A_15 = tpu.memref_slice %arg3[%dma_start3A_13, %dma_start3A_14] : memref<500000x128xf32, #tpu.memory_space<hbm>> -> memref<500000x128xf32, #tpu.memory_space<hbm>>
    tpu.enqueue_indirect_dma source(%dma_start3A_15 : memref<500000x128xf32, #tpu.memory_space<hbm>>) target(%arg7 : memref<128x128xf32, #tpu.memory_space<vmem>>) offsets(%dma_start3A_12 : memref<128xi32, #tpu.memory_space<vmem>>) semaphore(%arg12 : memref<!tpu.dma_semaphore, #tpu.memory_space<semaphore_mem>>)
    %dma_start3A_16 = arith.constant 2 : i32
    %dma_start3A_17 = arith.constant 0 : i32
    %dma_start3A_18 = arith.constant 0 : i32
    %dma_start3A_19 = tpu.memref_slice %arg5[%dma_start3A_16, %dma_start3A_17, %dma_start3A_18] : memref<50x1x128xi32, #tpu.memory_space<vmem>> -> memref<1x1x128xi32, #tpu.memory_space<vmem>>
    %dma_start3A_20 = tpu.memref_squeeze %dma_start3A_19 : memref<1x1x128xi32, #tpu.memory_space<vmem>> -> memref<128xi32, #tpu.memory_space<vmem>>
    %dma_start3A_21 = arith.constant 0 : i32
    %dma_start3A_22 = arith.constant 0 : i32
    %dma_start3A_23 = tpu.memref_slice %arg3[%dma_start3A_21, %dma_start3A_22] : memref<500000x128xf32, #tpu.memory_space<hbm>> -> memref<500000x128xf32, #tpu.memory_space<hbm>>
    tpu.enqueue_indirect_dma source(%dma_start3A_23 : memref<500000x128xf32, #tpu.memory_space<hbm>>) target(%arg8 : memref<128x128xf32, #tpu.memory_space<vmem>>) offsets(%dma_start3A_20 : memref<128xi32, #tpu.memory_space<vmem>>) semaphore(%arg13 : memref<!tpu.dma_semaphore, #tpu.memory_space<semaphore_mem>>)
    %scan3A = arith.constant 0 : i32
    %scan3A_24 = arith.constant 0 : i32
    %scan3A_25 = arith.constant 10 : i32
    %scan3A_26 = arith.addi %scan3A_24, %scan3A_25 : i32
    %scan3A_27 = arith.constant 1 : i32
    scf.for %scan3A_68 = %scan3A_24 to %scan3A_26 step %scan3A_27  : i32 {
      %mul3A_69 = arith.constant 5 : i32
      %mul3A_70 = arith.muli %mul3A_69, %scan3A_68 : i32
      %add3A_71 = arith.constant 0 : i32
      %add3A_72 = arith.addi %mul3A_70, %add3A_71 : i32
      %dma_wait3A_73 = arith.constant 0 : i32
      %dma_wait3A_74 = arith.constant 0 : i32
      %dma_wait3A_75 = tpu.memref_slice %arg5[%add3A_72, %dma_wait3A_73, %dma_wait3A_74] : memref<50x1x128xi32, #tpu.memory_space<vmem>> -> memref<1x1x128xi32, #tpu.memory_space<vmem>>
      %dma_wait3A_76 = tpu.memref_squeeze %dma_wait3A_75 : memref<1x1x128xi32, #tpu.memory_space<vmem>> -> memref<128xi32, #tpu.memory_space<vmem>>
      %dma_wait3A_77 = arith.constant 0 : i32
      %dma_wait3A_78 = arith.constant 0 : i32
      %dma_wait3A_79 = tpu.memref_slice %arg3[%dma_wait3A_77, %dma_wait3A_78] : memref<500000x128xf32, #tpu.memory_space<hbm>> -> memref<500000x128xf32, #tpu.memory_space<hbm>>
      tpu.wait_indirect_dma semaphore(%arg11 : memref<!tpu.dma_semaphore, #tpu.memory_space<semaphore_mem>>) src(%dma_wait3A_79 : memref<500000x128xf32, #tpu.memory_space<hbm>>) dst(%arg6 : memref<128x128xf32, #tpu.memory_space<vmem>>)
      %mul3A_80 = arith.constant 6400 : i32
      %mul3A_81 = arith.muli %add3A, %mul3A_80 : i32
      %mul3A_82 = arith.constant 128 : i32
      %mul3A_83 = arith.muli %add3A_72, %mul3A_82 : i32
      %add3A_84 = arith.addi %mul3A_81, %mul3A_83 : i32
      %dma_start3A_85 = arith.constant 0 : i32
      %dma_start3A_86 = tpu.memref_slice %arg4[%add3A_84, %dma_start3A_85] : memref<204800x128xf32, #tpu.memory_space<hbm>> -> memref<128x128xf32, #tpu.memory_space<hbm>>
      %dma_start3A_87 = arith.constant 0 : i32
      %dma_start3A_88 = tpu.memref_slice %arg4[%add3A_84, %dma_start3A_87] : memref<204800x128xf32, #tpu.memory_space<hbm>> -> memref<128x128xf32, #tpu.memory_space<hbm>>
      tpu.enqueue_dma source(%arg6 : memref<128x128xf32, #tpu.memory_space<vmem>>) target(%dma_start3A_88 : memref<128x128xf32, #tpu.memory_space<hbm>>) target_semaphore(%arg16 : memref<!tpu.dma_semaphore, #tpu.memory_space<semaphore_mem>>)
      %add3A_89 = arith.constant 3 : i32
      %add3A_90 = arith.addi %add3A_72, %add3A_89 : i32
      %lt3A = arith.constant 50 : i32
      %lt3A_91 = arith.cmpi slt, %add3A_90, %lt3A : i32
      %convert_element_type3A = arith.extui %lt3A_91 : i1 to i32
      %cond3A = arith.constant 0 : i32
      %cond3A_92 = arith.cmpi ne, %convert_element_type3A, %cond3A : i32
      scf.if %cond3A_92 {
        %ge3A = arith.constant 2 : i32
        %ge3A_201 = arith.cmpi sge, %add3A_72, %ge3A : i32
        %convert_element_type3A_202 = arith.extui %ge3A_201 : i1 to i32
        %cond3A_203 = arith.constant 0 : i32
        %cond3A_204 = arith.cmpi ne, %convert_element_type3A_202, %cond3A_203 : i32
        scf.if %cond3A_204 {
          %sub3A = arith.constant 2 : i32
          %sub3A_214 = arith.subi %add3A_72, %sub3A : i32
          %mul3A_215 = arith.constant 6400 : i32
          %mul3A_216 = arith.muli %add3A, %mul3A_215 : i32
          %mul3A_217 = arith.constant 128 : i32
          %mul3A_218 = arith.muli %sub3A_214, %mul3A_217 : i32
          %add3A_219 = arith.addi %mul3A_216, %mul3A_218 : i32
          %dma_wait3A_220 = arith.constant 0 : i32
          %dma_wait3A_221 = tpu.memref_slice %arg4[%add3A_219, %dma_wait3A_220] : memref<204800x128xf32, #tpu.memory_space<hbm>> -> memref<128x128xf32, #tpu.memory_space<hbm>>
          %dma_wait3A_222 = arith.constant 0 : i32
          %dma_wait3A_223 = tpu.memref_slice %arg4[%add3A_219, %dma_wait3A_222] : memref<204800x128xf32, #tpu.memory_space<hbm>> -> memref<128x128xf32, #tpu.memory_space<hbm>>
          tpu.wait_dma2 semaphore(%arg19 : memref<!tpu.dma_semaphore, #tpu.memory_space<semaphore_mem>>) src(%arg9 : memref<128x128xf32, #tpu.memory_space<vmem>>) dst(%dma_wait3A_223 : memref<128x128xf32, #tpu.memory_space<hbm>>)
        } else {
        }
        %add3A_205 = arith.constant 3 : i32
        %add3A_206 = arith.addi %add3A_72, %add3A_205 : i32
        %dma_start3A_207 = arith.constant 0 : i32
        %dma_start3A_208 = arith.constant 0 : i32
        %dma_start3A_209 = tpu.memref_slice %arg5[%add3A_206, %dma_start3A_207, %dma_start3A_208] : memref<50x1x128xi32, #tpu.memory_space<vmem>> -> memref<1x1x128xi32, #tpu.memory_space<vmem>>
        %dma_start3A_210 = tpu.memref_squeeze %dma_start3A_209 : memref<1x1x128xi32, #tpu.memory_space<vmem>> -> memref<128xi32, #tpu.memory_space<vmem>>
        %dma_start3A_211 = arith.constant 0 : i32
        %dma_start3A_212 = arith.constant 0 : i32
        %dma_start3A_213 = tpu.memref_slice %arg3[%dma_start3A_211, %dma_start3A_212] : memref<500000x128xf32, #tpu.memory_space<hbm>> -> memref<500000x128xf32, #tpu.memory_space<hbm>>
        tpu.enqueue_indirect_dma source(%dma_start3A_213 : memref<500000x128xf32, #tpu.memory_space<hbm>>) target(%arg9 : memref<128x128xf32, #tpu.memory_space<vmem>>) offsets(%dma_start3A_210 : memref<128xi32, #tpu.memory_space<vmem>>) semaphore(%arg14 : memref<!tpu.dma_semaphore, #tpu.memory_space<semaphore_mem>>)
      } else {
      }
      %mul3A_93 = arith.constant 5 : i32
      %mul3A_94 = arith.muli %mul3A_93, %scan3A_68 : i32
      %add3A_95 = arith.constant 1 : i32
      %add3A_96 = arith.addi %mul3A_94, %add3A_95 : i32
      %dma_wait3A_97 = arith.constant 0 : i32
      %dma_wait3A_98 = arith.constant 0 : i32
      %dma_wait3A_99 = tpu.memref_slice %arg5[%add3A_96, %dma_wait3A_97, %dma_wait3A_98] : memref<50x1x128xi32, #tpu.memory_space<vmem>> -> memref<1x1x128xi32, #tpu.memory_space<vmem>>
      %dma_wait3A_100 = tpu.memref_squeeze %dma_wait3A_99 : memref<1x1x128xi32, #tpu.memory_space<vmem>> -> memref<128xi32, #tpu.memory_space<vmem>>
      %dma_wait3A_101 = arith.constant 0 : i32
      %dma_wait3A_102 = arith.constant 0 : i32
      %dma_wait3A_103 = tpu.memref_slice %arg3[%dma_wait3A_101, %dma_wait3A_102] : memref<500000x128xf32, #tpu.memory_space<hbm>> -> memref<500000x128xf32, #tpu.memory_space<hbm>>
      tpu.wait_indirect_dma semaphore(%arg12 : memref<!tpu.dma_semaphore, #tpu.memory_space<semaphore_mem>>) src(%dma_wait3A_103 : memref<500000x128xf32, #tpu.memory_space<hbm>>) dst(%arg7 : memref<128x128xf32, #tpu.memory_space<vmem>>)
      %mul3A_104 = arith.constant 6400 : i32
      %mul3A_105 = arith.muli %add3A, %mul3A_104 : i32
      %mul3A_106 = arith.constant 128 : i32
      %mul3A_107 = arith.muli %add3A_96, %mul3A_106 : i32
      %add3A_108 = arith.addi %mul3A_105, %mul3A_107 : i32
      %dma_start3A_109 = arith.constant 0 : i32
      %dma_start3A_110 = tpu.memref_slice %arg4[%add3A_108, %dma_start3A_109] : memref<204800x128xf32, #tpu.memory_space<hbm>> -> memref<128x128xf32, #tpu.memory_space<hbm>>
      %dma_start3A_111 = arith.constant 0 : i32
      %dma_start3A_112 = tpu.memref_slice %arg4[%add3A_108, %dma_start3A_111] : memref<204800x128xf32, #tpu.memory_space<hbm>> -> memref<128x128xf32, #tpu.memory_space<hbm>>
      tpu.enqueue_dma source(%arg7 : memref<128x128xf32, #tpu.memory_space<vmem>>) target(%dma_start3A_112 : memref<128x128xf32, #tpu.memory_space<hbm>>) target_semaphore(%arg17 : memref<!tpu.dma_semaphore, #tpu.memory_space<semaphore_mem>>)
      %add3A_113 = arith.constant 3 : i32
      %add3A_114 = arith.addi %add3A_96, %add3A_113 : i32
      %lt3A_115 = arith.constant 50 : i32
      %lt3A_116 = arith.cmpi slt, %add3A_114, %lt3A_115 : i32
      %convert_element_type3A_117 = arith.extui %lt3A_116 : i1 to i32
      %cond3A_118 = arith.constant 0 : i32
      %cond3A_119 = arith.cmpi ne, %convert_element_type3A_117, %cond3A_118 : i32
      scf.if %cond3A_119 {
        %ge3A = arith.constant 2 : i32
        %ge3A_201 = arith.cmpi sge, %add3A_96, %ge3A : i32
        %convert_element_type3A_202 = arith.extui %ge3A_201 : i1 to i32
        %cond3A_203 = arith.constant 0 : i32
        %cond3A_204 = arith.cmpi ne, %convert_element_type3A_202, %cond3A_203 : i32
        scf.if %cond3A_204 {
          %sub3A = arith.constant 2 : i32
          %sub3A_214 = arith.subi %add3A_96, %sub3A : i32
          %mul3A_215 = arith.constant 6400 : i32
          %mul3A_216 = arith.muli %add3A, %mul3A_215 : i32
          %mul3A_217 = arith.constant 128 : i32
          %mul3A_218 = arith.muli %sub3A_214, %mul3A_217 : i32
          %add3A_219 = arith.addi %mul3A_216, %mul3A_218 : i32
          %dma_wait3A_220 = arith.constant 0 : i32
          %dma_wait3A_221 = tpu.memref_slice %arg4[%add3A_219, %dma_wait3A_220] : memref<204800x128xf32, #tpu.memory_space<hbm>> -> memref<128x128xf32, #tpu.memory_space<hbm>>
          %dma_wait3A_222 = arith.constant 0 : i32
          %dma_wait3A_223 = tpu.memref_slice %arg4[%add3A_219, %dma_wait3A_222] : memref<204800x128xf32, #tpu.memory_space<hbm>> -> memref<128x128xf32, #tpu.memory_space<hbm>>
          tpu.wait_dma2 semaphore(%arg20 : memref<!tpu.dma_semaphore, #tpu.memory_space<semaphore_mem>>) src(%arg10 : memref<128x128xf32, #tpu.memory_space<vmem>>) dst(%dma_wait3A_223 : memref<128x128xf32, #tpu.memory_space<hbm>>)
        } else {
        }
        %add3A_205 = arith.constant 3 : i32
        %add3A_206 = arith.addi %add3A_96, %add3A_205 : i32
        %dma_start3A_207 = arith.constant 0 : i32
        %dma_start3A_208 = arith.constant 0 : i32
        %dma_start3A_209 = tpu.memref_slice %arg5[%add3A_206, %dma_start3A_207, %dma_start3A_208] : memref<50x1x128xi32, #tpu.memory_space<vmem>> -> memref<1x1x128xi32, #tpu.memory_space<vmem>>
        %dma_start3A_210 = tpu.memref_squeeze %dma_start3A_209 : memref<1x1x128xi32, #tpu.memory_space<vmem>> -> memref<128xi32, #tpu.memory_space<vmem>>
        %dma_start3A_211 = arith.constant 0 : i32
        %dma_start3A_212 = arith.constant 0 : i32
        %dma_start3A_213 = tpu.memref_slice %arg3[%dma_start3A_211, %dma_start3A_212] : memref<500000x128xf32, #tpu.memory_space<hbm>> -> memref<500000x128xf32, #tpu.memory_space<hbm>>
        tpu.enqueue_indirect_dma source(%dma_start3A_213 : memref<500000x128xf32, #tpu.memory_space<hbm>>) target(%arg10 : memref<128x128xf32, #tpu.memory_space<vmem>>) offsets(%dma_start3A_210 : memref<128xi32, #tpu.memory_space<vmem>>) semaphore(%arg15 : memref<!tpu.dma_semaphore, #tpu.memory_space<semaphore_mem>>)
      } else {
      }
      %mul3A_120 = arith.constant 5 : i32
      %mul3A_121 = arith.muli %mul3A_120, %scan3A_68 : i32
      %add3A_122 = arith.constant 2 : i32
      %add3A_123 = arith.addi %mul3A_121, %add3A_122 : i32
      %dma_wait3A_124 = arith.constant 0 : i32
      %dma_wait3A_125 = arith.constant 0 : i32
      %dma_wait3A_126 = tpu.memref_slice %arg5[%add3A_123, %dma_wait3A_124, %dma_wait3A_125] : memref<50x1x128xi32, #tpu.memory_space<vmem>> -> memref<1x1x128xi32, #tpu.memory_space<vmem>>
      %dma_wait3A_127 = tpu.memref_squeeze %dma_wait3A_126 : memref<1x1x128xi32, #tpu.memory_space<vmem>> -> memref<128xi32, #tpu.memory_space<vmem>>
      %dma_wait3A_128 = arith.constant 0 : i32
      %dma_wait3A_129 = arith.constant 0 : i32
      %dma_wait3A_130 = tpu.memref_slice %arg3[%dma_wait3A_128, %dma_wait3A_129] : memref<500000x128xf32, #tpu.memory_space<hbm>> -> memref<500000x128xf32, #tpu.memory_space<hbm>>
      tpu.wait_indirect_dma semaphore(%arg13 : memref<!tpu.dma_semaphore, #tpu.memory_space<semaphore_mem>>) src(%dma_wait3A_130 : memref<500000x128xf32, #tpu.memory_space<hbm>>) dst(%arg8 : memref<128x128xf32, #tpu.memory_space<vmem>>)
      %mul3A_131 = arith.constant 6400 : i32
      %mul3A_132 = arith.muli %add3A, %mul3A_131 : i32
      %mul3A_133 = arith.constant 128 : i32
      %mul3A_134 = arith.muli %add3A_123, %mul3A_133 : i32
      %add3A_135 = arith.addi %mul3A_132, %mul3A_134 : i32
      %dma_start3A_136 = arith.constant 0 : i32
      %dma_start3A_137 = tpu.memref_slice %arg4[%add3A_135, %dma_start3A_136] : memref<204800x128xf32, #tpu.memory_space<hbm>> -> memref<128x128xf32, #tpu.memory_space<hbm>>
      %dma_start3A_138 = arith.constant 0 : i32
      %dma_start3A_139 = tpu.memref_slice %arg4[%add3A_135, %dma_start3A_138] : memref<204800x128xf32, #tpu.memory_space<hbm>> -> memref<128x128xf32, #tpu.memory_space<hbm>>
      tpu.enqueue_dma source(%arg8 : memref<128x128xf32, #tpu.memory_space<vmem>>) target(%dma_start3A_139 : memref<128x128xf32, #tpu.memory_space<hbm>>) target_semaphore(%arg18 : memref<!tpu.dma_semaphore, #tpu.memory_space<semaphore_mem>>)
      %add3A_140 = arith.constant 3 : i32
      %add3A_141 = arith.addi %add3A_123, %add3A_140 : i32
      %lt3A_142 = arith.constant 50 : i32
      %lt3A_143 = arith.cmpi slt, %add3A_141, %lt3A_142 : i32
      %convert_element_type3A_144 = arith.extui %lt3A_143 : i1 to i32
      %cond3A_145 = arith.constant 0 : i32
      %cond3A_146 = arith.cmpi ne, %convert_element_type3A_144, %cond3A_145 : i32
      scf.if %cond3A_146 {
        %ge3A = arith.constant 2 : i32
        %ge3A_201 = arith.cmpi sge, %add3A_123, %ge3A : i32
        %convert_element_type3A_202 = arith.extui %ge3A_201 : i1 to i32
        %cond3A_203 = arith.constant 0 : i32
        %cond3A_204 = arith.cmpi ne, %convert_element_type3A_202, %cond3A_203 : i32
        scf.if %cond3A_204 {
          %sub3A = arith.constant 2 : i32
          %sub3A_214 = arith.subi %add3A_123, %sub3A : i32
          %mul3A_215 = arith.constant 6400 : i32
          %mul3A_216 = arith.muli %add3A, %mul3A_215 : i32
          %mul3A_217 = arith.constant 128 : i32
          %mul3A_218 = arith.muli %sub3A_214, %mul3A_217 : i32
          %add3A_219 = arith.addi %mul3A_216, %mul3A_218 : i32
          %dma_wait3A_220 = arith.constant 0 : i32
          %dma_wait3A_221 = tpu.memref_slice %arg4[%add3A_219, %dma_wait3A_220] : memref<204800x128xf32, #tpu.memory_space<hbm>> -> memref<128x128xf32, #tpu.memory_space<hbm>>
          %dma_wait3A_222 = arith.constant 0 : i32
          %dma_wait3A_223 = tpu.memref_slice %arg4[%add3A_219, %dma_wait3A_222] : memref<204800x128xf32, #tpu.memory_space<hbm>> -> memref<128x128xf32, #tpu.memory_space<hbm>>
          tpu.wait_dma2 semaphore(%arg16 : memref<!tpu.dma_semaphore, #tpu.memory_space<semaphore_mem>>) src(%arg6 : memref<128x128xf32, #tpu.memory_space<vmem>>) dst(%dma_wait3A_223 : memref<128x128xf32, #tpu.memory_space<hbm>>)
        } else {
        }
        %add3A_205 = arith.constant 3 : i32
        %add3A_206 = arith.addi %add3A_123, %add3A_205 : i32
        %dma_start3A_207 = arith.constant 0 : i32
        %dma_start3A_208 = arith.constant 0 : i32
        %dma_start3A_209 = tpu.memref_slice %arg5[%add3A_206, %dma_start3A_207, %dma_start3A_208] : memref<50x1x128xi32, #tpu.memory_space<vmem>> -> memref<1x1x128xi32, #tpu.memory_space<vmem>>
        %dma_start3A_210 = tpu.memref_squeeze %dma_start3A_209 : memref<1x1x128xi32, #tpu.memory_space<vmem>> -> memref<128xi32, #tpu.memory_space<vmem>>
        %dma_start3A_211 = arith.constant 0 : i32
        %dma_start3A_212 = arith.constant 0 : i32
        %dma_start3A_213 = tpu.memref_slice %arg3[%dma_start3A_211, %dma_start3A_212] : memref<500000x128xf32, #tpu.memory_space<hbm>> -> memref<500000x128xf32, #tpu.memory_space<hbm>>
        tpu.enqueue_indirect_dma source(%dma_start3A_213 : memref<500000x128xf32, #tpu.memory_space<hbm>>) target(%arg6 : memref<128x128xf32, #tpu.memory_space<vmem>>) offsets(%dma_start3A_210 : memref<128xi32, #tpu.memory_space<vmem>>) semaphore(%arg11 : memref<!tpu.dma_semaphore, #tpu.memory_space<semaphore_mem>>)
      } else {
      }
      %mul3A_147 = arith.constant 5 : i32
      %mul3A_148 = arith.muli %mul3A_147, %scan3A_68 : i32
      %add3A_149 = arith.constant 3 : i32
      %add3A_150 = arith.addi %mul3A_148, %add3A_149 : i32
      %dma_wait3A_151 = arith.constant 0 : i32
      %dma_wait3A_152 = arith.constant 0 : i32
      %dma_wait3A_153 = tpu.memref_slice %arg5[%add3A_150, %dma_wait3A_151, %dma_wait3A_152] : memref<50x1x128xi32, #tpu.memory_space<vmem>> -> memref<1x1x128xi32, #tpu.memory_space<vmem>>
      %dma_wait3A_154 = tpu.memref_squeeze %dma_wait3A_153 : memref<1x1x128xi32, #tpu.memory_space<vmem>> -> memref<128xi32, #tpu.memory_space<vmem>>
      %dma_wait3A_155 = arith.constant 0 : i32
      %dma_wait3A_156 = arith.constant 0 : i32
      %dma_wait3A_157 = tpu.memref_slice %arg3[%dma_wait3A_155, %dma_wait3A_156] : memref<500000x128xf32, #tpu.memory_space<hbm>> -> memref<500000x128xf32, #tpu.memory_space<hbm>>
      tpu.wait_indirect_dma semaphore(%arg14 : memref<!tpu.dma_semaphore, #tpu.memory_space<semaphore_mem>>) src(%dma_wait3A_157 : memref<500000x128xf32, #tpu.memory_space<hbm>>) dst(%arg9 : memref<128x128xf32, #tpu.memory_space<vmem>>)
      %mul3A_158 = arith.constant 6400 : i32
      %mul3A_159 = arith.muli %add3A, %mul3A_158 : i32
      %mul3A_160 = arith.constant 128 : i32
      %mul3A_161 = arith.muli %add3A_150, %mul3A_160 : i32
      %add3A_162 = arith.addi %mul3A_159, %mul3A_161 : i32
      %dma_start3A_163 = arith.constant 0 : i32
      %dma_start3A_164 = tpu.memref_slice %arg4[%add3A_162, %dma_start3A_163] : memref<204800x128xf32, #tpu.memory_space<hbm>> -> memref<128x128xf32, #tpu.memory_space<hbm>>
      %dma_start3A_165 = arith.constant 0 : i32
      %dma_start3A_166 = tpu.memref_slice %arg4[%add3A_162, %dma_start3A_165] : memref<204800x128xf32, #tpu.memory_space<hbm>> -> memref<128x128xf32, #tpu.memory_space<hbm>>
      tpu.enqueue_dma source(%arg9 : memref<128x128xf32, #tpu.memory_space<vmem>>) target(%dma_start3A_166 : memref<128x128xf32, #tpu.memory_space<hbm>>) target_semaphore(%arg19 : memref<!tpu.dma_semaphore, #tpu.memory_space<semaphore_mem>>)
      %add3A_167 = arith.constant 3 : i32
      %add3A_168 = arith.addi %add3A_150, %add3A_167 : i32
      %lt3A_169 = arith.constant 50 : i32
      %lt3A_170 = arith.cmpi slt, %add3A_168, %lt3A_169 : i32
      %convert_element_type3A_171 = arith.extui %lt3A_170 : i1 to i32
      %cond3A_172 = arith.constant 0 : i32
      %cond3A_173 = arith.cmpi ne, %convert_element_type3A_171, %cond3A_172 : i32
      scf.if %cond3A_173 {
        %ge3A = arith.constant 2 : i32
        %ge3A_201 = arith.cmpi sge, %add3A_150, %ge3A : i32
        %convert_element_type3A_202 = arith.extui %ge3A_201 : i1 to i32
        %cond3A_203 = arith.constant 0 : i32
        %cond3A_204 = arith.cmpi ne, %convert_element_type3A_202, %cond3A_203 : i32
        scf.if %cond3A_204 {
          %sub3A = arith.constant 2 : i32
          %sub3A_214 = arith.subi %add3A_150, %sub3A : i32
          %mul3A_215 = arith.constant 6400 : i32
          %mul3A_216 = arith.muli %add3A, %mul3A_215 : i32
          %mul3A_217 = arith.constant 128 : i32
          %mul3A_218 = arith.muli %sub3A_214, %mul3A_217 : i32
          %add3A_219 = arith.addi %mul3A_216, %mul3A_218 : i32
          %dma_wait3A_220 = arith.constant 0 : i32
          %dma_wait3A_221 = tpu.memref_slice %arg4[%add3A_219, %dma_wait3A_220] : memref<204800x128xf32, #tpu.memory_space<hbm>> -> memref<128x128xf32, #tpu.memory_space<hbm>>
          %dma_wait3A_222 = arith.constant 0 : i32
          %dma_wait3A_223 = tpu.memref_slice %arg4[%add3A_219, %dma_wait3A_222] : memref<204800x128xf32, #tpu.memory_space<hbm>> -> memref<128x128xf32, #tpu.memory_space<hbm>>
          tpu.wait_dma2 semaphore(%arg17 : memref<!tpu.dma_semaphore, #tpu.memory_space<semaphore_mem>>) src(%arg7 : memref<128x128xf32, #tpu.memory_space<vmem>>) dst(%dma_wait3A_223 : memref<128x128xf32, #tpu.memory_space<hbm>>)
        } else {
        }
        %add3A_205 = arith.constant 3 : i32
        %add3A_206 = arith.addi %add3A_150, %add3A_205 : i32
        %dma_start3A_207 = arith.constant 0 : i32
        %dma_start3A_208 = arith.constant 0 : i32
        %dma_start3A_209 = tpu.memref_slice %arg5[%add3A_206, %dma_start3A_207, %dma_start3A_208] : memref<50x1x128xi32, #tpu.memory_space<vmem>> -> memref<1x1x128xi32, #tpu.memory_space<vmem>>
        %dma_start3A_210 = tpu.memref_squeeze %dma_start3A_209 : memref<1x1x128xi32, #tpu.memory_space<vmem>> -> memref<128xi32, #tpu.memory_space<vmem>>
        %dma_start3A_211 = arith.constant 0 : i32
        %dma_start3A_212 = arith.constant 0 : i32
        %dma_start3A_213 = tpu.memref_slice %arg3[%dma_start3A_211, %dma_start3A_212] : memref<500000x128xf32, #tpu.memory_space<hbm>> -> memref<500000x128xf32, #tpu.memory_space<hbm>>
        tpu.enqueue_indirect_dma source(%dma_start3A_213 : memref<500000x128xf32, #tpu.memory_space<hbm>>) target(%arg7 : memref<128x128xf32, #tpu.memory_space<vmem>>) offsets(%dma_start3A_210 : memref<128xi32, #tpu.memory_space<vmem>>) semaphore(%arg12 : memref<!tpu.dma_semaphore, #tpu.memory_space<semaphore_mem>>)
      } else {
      }
      %mul3A_174 = arith.constant 5 : i32
      %mul3A_175 = arith.muli %mul3A_174, %scan3A_68 : i32
      %add3A_176 = arith.constant 4 : i32
      %add3A_177 = arith.addi %mul3A_175, %add3A_176 : i32
      %dma_wait3A_178 = arith.constant 0 : i32
      %dma_wait3A_179 = arith.constant 0 : i32
      %dma_wait3A_180 = tpu.memref_slice %arg5[%add3A_177, %dma_wait3A_178, %dma_wait3A_179] : memref<50x1x128xi32, #tpu.memory_space<vmem>> -> memref<1x1x128xi32, #tpu.memory_space<vmem>>
      %dma_wait3A_181 = tpu.memref_squeeze %dma_wait3A_180 : memref<1x1x128xi32, #tpu.memory_space<vmem>> -> memref<128xi32, #tpu.memory_space<vmem>>
      %dma_wait3A_182 = arith.constant 0 : i32
      %dma_wait3A_183 = arith.constant 0 : i32
      %dma_wait3A_184 = tpu.memref_slice %arg3[%dma_wait3A_182, %dma_wait3A_183] : memref<500000x128xf32, #tpu.memory_space<hbm>> -> memref<500000x128xf32, #tpu.memory_space<hbm>>
      tpu.wait_indirect_dma semaphore(%arg15 : memref<!tpu.dma_semaphore, #tpu.memory_space<semaphore_mem>>) src(%dma_wait3A_184 : memref<500000x128xf32, #tpu.memory_space<hbm>>) dst(%arg10 : memref<128x128xf32, #tpu.memory_space<vmem>>)
      %mul3A_185 = arith.constant 6400 : i32
      %mul3A_186 = arith.muli %add3A, %mul3A_185 : i32
      %mul3A_187 = arith.constant 128 : i32
      %mul3A_188 = arith.muli %add3A_177, %mul3A_187 : i32
      %add3A_189 = arith.addi %mul3A_186, %mul3A_188 : i32
      %dma_start3A_190 = arith.constant 0 : i32
      %dma_start3A_191 = tpu.memref_slice %arg4[%add3A_189, %dma_start3A_190] : memref<204800x128xf32, #tpu.memory_space<hbm>> -> memref<128x128xf32, #tpu.memory_space<hbm>>
      %dma_start3A_192 = arith.constant 0 : i32
      %dma_start3A_193 = tpu.memref_slice %arg4[%add3A_189, %dma_start3A_192] : memref<204800x128xf32, #tpu.memory_space<hbm>> -> memref<128x128xf32, #tpu.memory_space<hbm>>
      tpu.enqueue_dma source(%arg10 : memref<128x128xf32, #tpu.memory_space<vmem>>) target(%dma_start3A_193 : memref<128x128xf32, #tpu.memory_space<hbm>>) target_semaphore(%arg20 : memref<!tpu.dma_semaphore, #tpu.memory_space<semaphore_mem>>)
      %add3A_194 = arith.constant 3 : i32
      %add3A_195 = arith.addi %add3A_177, %add3A_194 : i32
      %lt3A_196 = arith.constant 50 : i32
      %lt3A_197 = arith.cmpi slt, %add3A_195, %lt3A_196 : i32
      %convert_element_type3A_198 = arith.extui %lt3A_197 : i1 to i32
      %cond3A_199 = arith.constant 0 : i32
      %cond3A_200 = arith.cmpi ne, %convert_element_type3A_198, %cond3A_199 : i32
      scf.if %cond3A_200 {
        %ge3A = arith.constant 2 : i32
        %ge3A_201 = arith.cmpi sge, %add3A_177, %ge3A : i32
        %convert_element_type3A_202 = arith.extui %ge3A_201 : i1 to i32
        %cond3A_203 = arith.constant 0 : i32
        %cond3A_204 = arith.cmpi ne, %convert_element_type3A_202, %cond3A_203 : i32
        scf.if %cond3A_204 {
          %sub3A = arith.constant 2 : i32
          %sub3A_214 = arith.subi %add3A_177, %sub3A : i32
          %mul3A_215 = arith.constant 6400 : i32
          %mul3A_216 = arith.muli %add3A, %mul3A_215 : i32
          %mul3A_217 = arith.constant 128 : i32
          %mul3A_218 = arith.muli %sub3A_214, %mul3A_217 : i32
          %add3A_219 = arith.addi %mul3A_216, %mul3A_218 : i32
          %dma_wait3A_220 = arith.constant 0 : i32
          %dma_wait3A_221 = tpu.memref_slice %arg4[%add3A_219, %dma_wait3A_220] : memref<204800x128xf32, #tpu.memory_space<hbm>> -> memref<128x128xf32, #tpu.memory_space<hbm>>
          %dma_wait3A_222 = arith.constant 0 : i32
          %dma_wait3A_223 = tpu.memref_slice %arg4[%add3A_219, %dma_wait3A_222] : memref<204800x128xf32, #tpu.memory_space<hbm>> -> memref<128x128xf32, #tpu.memory_space<hbm>>
          tpu.wait_dma2 semaphore(%arg18 : memref<!tpu.dma_semaphore, #tpu.memory_space<semaphore_mem>>) src(%arg8 : memref<128x128xf32, #tpu.memory_space<vmem>>) dst(%dma_wait3A_223 : memref<128x128xf32, #tpu.memory_space<hbm>>)
        } else {
        }
        %add3A_205 = arith.constant 3 : i32
        %add3A_206 = arith.addi %add3A_177, %add3A_205 : i32
        %dma_start3A_207 = arith.constant 0 : i32
        %dma_start3A_208 = arith.constant 0 : i32
        %dma_start3A_209 = tpu.memref_slice %arg5[%add3A_206, %dma_start3A_207, %dma_start3A_208] : memref<50x1x128xi32, #tpu.memory_space<vmem>> -> memref<1x1x128xi32, #tpu.memory_space<vmem>>
        %dma_start3A_210 = tpu.memref_squeeze %dma_start3A_209 : memref<1x1x128xi32, #tpu.memory_space<vmem>> -> memref<128xi32, #tpu.memory_space<vmem>>
        %dma_start3A_211 = arith.constant 0 : i32
        %dma_start3A_212 = arith.constant 0 : i32
        %dma_start3A_213 = tpu.memref_slice %arg3[%dma_start3A_211, %dma_start3A_212] : memref<500000x128xf32, #tpu.memory_space<hbm>> -> memref<500000x128xf32, #tpu.memory_space<hbm>>
        tpu.enqueue_indirect_dma source(%dma_start3A_213 : memref<500000x128xf32, #tpu.memory_space<hbm>>) target(%arg8 : memref<128x128xf32, #tpu.memory_space<vmem>>) offsets(%dma_start3A_210 : memref<128xi32, #tpu.memory_space<vmem>>) semaphore(%arg13 : memref<!tpu.dma_semaphore, #tpu.memory_space<semaphore_mem>>)
      } else {
      }
    }
    %scan3A_28 = arith.constant 10 : i32
    %mul3A_29 = arith.constant 6400 : i32
    %mul3A_30 = arith.muli %add3A, %mul3A_29 : i32
    %add3A_31 = arith.constant 5760 : i32
    %add3A_32 = arith.addi %mul3A_30, %add3A_31 : i32
    %dma_wait3A = arith.constant 0 : i32
    %dma_wait3A_33 = tpu.memref_slice %arg4[%add3A_32, %dma_wait3A] : memref<204800x128xf32, #tpu.memory_space<hbm>> -> memref<128x128xf32, #tpu.memory_space<hbm>>
    %dma_wait3A_34 = arith.constant 0 : i32
    %dma_wait3A_35 = tpu.memref_slice %arg4[%add3A_32, %dma_wait3A_34] : memref<204800x128xf32, #tpu.memory_space<hbm>> -> memref<128x128xf32, #tpu.memory_space<hbm>>
    tpu.wait_dma2 semaphore(%arg16 : memref<!tpu.dma_semaphore, #tpu.memory_space<semaphore_mem>>) src(%arg6 : memref<128x128xf32, #tpu.memory_space<vmem>>) dst(%dma_wait3A_35 : memref<128x128xf32, #tpu.memory_space<hbm>>)
    %mul3A_36 = arith.constant 6400 : i32
    %mul3A_37 = arith.muli %add3A, %mul3A_36 : i32
    %add3A_38 = arith.constant 5888 : i32
    %add3A_39 = arith.addi %mul3A_37, %add3A_38 : i32
    %dma_wait3A_40 = arith.constant 0 : i32
    %dma_wait3A_41 = tpu.memref_slice %arg4[%add3A_39, %dma_wait3A_40] : memref<204800x128xf32, #tpu.memory_space<hbm>> -> memref<128x128xf32, #tpu.memory_space<hbm>>
    %dma_wait3A_42 = arith.constant 0 : i32
    %dma_wait3A_43 = tpu.memref_slice %arg4[%add3A_39, %dma_wait3A_42] : memref<204800x128xf32, #tpu.memory_space<hbm>> -> memref<128x128xf32, #tpu.memory_space<hbm>>
    tpu.wait_dma2 semaphore(%arg17 : memref<!tpu.dma_semaphore, #tpu.memory_space<semaphore_mem>>) src(%arg7 : memref<128x128xf32, #tpu.memory_space<vmem>>) dst(%dma_wait3A_43 : memref<128x128xf32, #tpu.memory_space<hbm>>)
    %mul3A_44 = arith.constant 6400 : i32
    %mul3A_45 = arith.muli %add3A, %mul3A_44 : i32
    %add3A_46 = arith.constant 6016 : i32
    %add3A_47 = arith.addi %mul3A_45, %add3A_46 : i32
    %dma_wait3A_48 = arith.constant 0 : i32
    %dma_wait3A_49 = tpu.memref_slice %arg4[%add3A_47, %dma_wait3A_48] : memref<204800x128xf32, #tpu.memory_space<hbm>> -> memref<128x128xf32, #tpu.memory_space<hbm>>
    %dma_wait3A_50 = arith.constant 0 : i32
    %dma_wait3A_51 = tpu.memref_slice %arg4[%add3A_47, %dma_wait3A_50] : memref<204800x128xf32, #tpu.memory_space<hbm>> -> memref<128x128xf32, #tpu.memory_space<hbm>>
    tpu.wait_dma2 semaphore(%arg18 : memref<!tpu.dma_semaphore, #tpu.memory_space<semaphore_mem>>) src(%arg8 : memref<128x128xf32, #tpu.memory_space<vmem>>) dst(%dma_wait3A_51 : memref<128x128xf32, #tpu.memory_space<hbm>>)
    %mul3A_52 = arith.constant 6400 : i32
    %mul3A_53 = arith.muli %add3A, %mul3A_52 : i32
    %add3A_54 = arith.constant 6144 : i32
    %add3A_55 = arith.addi %mul3A_53, %add3A_54 : i32
    %dma_wait3A_56 = arith.constant 0 : i32
    %dma_wait3A_57 = tpu.memref_slice %arg4[%add3A_55, %dma_wait3A_56] : memref<204800x128xf32, #tpu.memory_space<hbm>> -> memref<128x128xf32, #tpu.memory_space<hbm>>
    %dma_wait3A_58 = arith.constant 0 : i32
    %dma_wait3A_59 = tpu.memref_slice %arg4[%add3A_55, %dma_wait3A_58] : memref<204800x128xf32, #tpu.memory_space<hbm>> -> memref<128x128xf32, #tpu.memory_space<hbm>>
    tpu.wait_dma2 semaphore(%arg19 : memref<!tpu.dma_semaphore, #tpu.memory_space<semaphore_mem>>) src(%arg9 : memref<128x128xf32, #tpu.memory_space<vmem>>) dst(%dma_wait3A_59 : memref<128x128xf32, #tpu.memory_space<hbm>>)
    %mul3A_60 = arith.constant 6400 : i32
    %mul3A_61 = arith.muli %add3A, %mul3A_60 : i32
    %add3A_62 = arith.constant 6272 : i32
    %add3A_63 = arith.addi %mul3A_61, %add3A_62 : i32
    %dma_wait3A_64 = arith.constant 0 : i32
    %dma_wait3A_65 = tpu.memref_slice %arg4[%add3A_63, %dma_wait3A_64] : memref<204800x128xf32, #tpu.memory_space<hbm>> -> memref<128x128xf32, #tpu.memory_space<hbm>>
    %dma_wait3A_66 = arith.constant 0 : i32
    %dma_wait3A_67 = tpu.memref_slice %arg4[%add3A_63, %dma_wait3A_66] : memref<204800x128xf32, #tpu.memory_space<hbm>> -> memref<128x128xf32, #tpu.memory_space<hbm>>
    tpu.wait_dma2 semaphore(%arg20 : memref<!tpu.dma_semaphore, #tpu.memory_space<semaphore_mem>>) src(%arg10 : memref<128x128xf32, #tpu.memory_space<vmem>>) dst(%dma_wait3A_67 : memref<128x128xf32, #tpu.memory_space<hbm>>)
    return
  }
}

module attributes {stable_mosaic.version = 14 : i64} {
  func.func @_tc_fused(%arg0: i32, %arg1: memref<3200x128xf32, #tpu.memory_space<vmem>>, %arg2: memref<16x200xi32, #tpu.memory_space<vmem>>, %arg3: memref<200x256xf32, #tpu.memory_space<vmem>>, %arg4: memref<64x256xf32, #tpu.memory_space<vmem>>, %arg5: memref<1x256xf32, #tpu.memory_space<vmem>>, %arg6: memref<1x256xf32, #tpu.memory_space<vmem>>, %arg7: memref<16x200x256xf32, #tpu.memory_space<vmem>>) attributes {dimension_semantics = [#tpu.dimension_semantics<arbitrary>], iteration_bounds = array<i64: 64>, scalar_prefetch = 0 : i64, scratch_operands = 0 : i64, tpu.core_type = #tpu.core_type<tc>, window_params = [{transform_indices = @transform_0, window_bounds = array<i64: 3200, 128>}, {transform_indices = @transform_1, window_bounds = array<i64: 16, 200>}, {pipeline_mode = #tpu.pipeline_mode<synchronous>, transform_indices = @transform_2, window_bounds = array<i64: 200, 256>}, {pipeline_mode = #tpu.pipeline_mode<synchronous>, transform_indices = @transform_3, window_bounds = array<i64: 64, 256>}, {pipeline_mode = #tpu.pipeline_mode<synchronous>, transform_indices = @transform_4, window_bounds = array<i64: 1, 256>}, {pipeline_mode = #tpu.pipeline_mode<synchronous>, transform_indices = @transform_5, window_bounds = array<i64: 1, 256>}, {transform_indices = @transform_6, window_bounds = array<i64: 16, 200, 256>}]} {
    %get3A = arith.constant 0 : index
    %get3A_0 = arith.constant 0 : index
    %get3A_1 = vector.load %arg1[%get3A, %get3A_0] : memref<3200x128xf32, #tpu.memory_space<vmem>>, vector<3200x128xf32>
    %reshape3A = vector.shape_cast %get3A_1 : vector<3200x128xf32> to vector<16x200x128xf32>
    %get3A_2 = arith.constant 0 : index
    %get3A_3 = arith.constant 0 : index
    %get3A_4 = vector.load %arg2[%get3A_2, %get3A_3] : memref<16x200xi32, #tpu.memory_space<vmem>>, vector<16x200xi32>
    %broadcast_in_dim3A = vector.shape_cast %get3A_4 : vector<16x200xi32> to vector<16x200x1xi32>
    %and3A = arith.constant 1 : i32
    %and3A_5 = vector.broadcast %and3A : i32 to vector<16x200x1xi32>
    %and3A_6 = arith.andi %broadcast_in_dim3A, %and3A_5 : vector<16x200x1xi32>
    %ne3A = arith.constant 0 : i32
    %ne3A_7 = vector.broadcast %ne3A : i32 to vector<16x200x1xi32>
    %ne3A_8 = arith.cmpi ne, %and3A_6, %ne3A_7 : vector<16x200x1xi32>
    %slice3A = vector.extract_strided_slice %reshape3A {offsets = [0, 0, 64], sizes = [16, 200, 64], strides = [1, 1, 1]} : vector<16x200x128xf32> to vector<16x200x64xf32>
    %slice3A_9 = vector.extract_strided_slice %reshape3A {offsets = [0, 0, 0], sizes = [16, 200, 64], strides = [1, 1, 1]} : vector<16x200x128xf32> to vector<16x200x64xf32>
    %broadcast_in_dim3A_10 = vector.shape_cast %ne3A_8 : vector<16x200x1xi1> to vector<16x200x1xi1>
    %broadcast_in_dim3A_11 = vector.broadcast %broadcast_in_dim3A_10 : vector<16x200x1xi1> to vector<16x200x64xi1>
    %select_n3A = arith.select %broadcast_in_dim3A_11, %slice3A, %slice3A_9 : vector<16x200x64xi1>, vector<16x200x64xf32>
    %ne3A_12 = arith.constant 0 : i32
    %ne3A_13 = vector.broadcast %ne3A_12 : i32 to vector<16x200x1xi32>
    %ne3A_14 = arith.cmpi ne, %broadcast_in_dim3A, %ne3A_13 : vector<16x200x1xi32>
    %convert_element_type3A = arith.extui %ne3A_14 : vector<16x200x1xi1> to vector<16x200x1xi32>
    %convert_element_type3A_15 = arith.sitofp %convert_element_type3A : vector<16x200x1xi32> to vector<16x200x1xf32>
    %mul3A = vector.broadcast %convert_element_type3A_15 : vector<16x200x1xf32> to vector<16x200x64xf32>
    %mul3A_16 = arith.mulf %select_n3A, %mul3A : vector<16x200x64xf32>
    %reshape3A_17 = vector.shape_cast %mul3A_16 : vector<16x200x64xf32> to vector<3200x64xf32>
    %get3A_18 = arith.constant 0 : index
    %get3A_19 = arith.constant 0 : index
    %get3A_20 = vector.load %arg4[%get3A_18, %get3A_19] : memref<64x256xf32, #tpu.memory_space<vmem>>, vector<64x256xf32>
    %dot_general3A = arith.constant dense<0.000000e+00> : vector<3200x256xf32>
    %dot_general3A_21 = tpu.matmul %reshape3A_17, %get3A_20, %dot_general3A {dimension_numbers = #tpu.dot_dimension_numbers<[1], [0], [0], [1], [0, 0, 1, 1], [], []>, transpose_lhs_hint = false} : vector<3200x64xf32>, vector<64x256xf32>, vector<3200x256xf32> -> vector<3200x256xf32>
    %reshape3A_22 = vector.shape_cast %dot_general3A_21 : vector<3200x256xf32> to vector<16x200x256xf32>
    %get3A_23 = arith.constant 0 : index
    %get3A_24 = arith.constant 0 : index
    %get3A_25 = vector.load %arg3[%get3A_23, %get3A_24] : memref<200x256xf32, #tpu.memory_space<vmem>>, vector<200x256xf32>
    %broadcast_in_dim3A_26 = vector.shape_cast %get3A_25 : vector<200x256xf32> to vector<1x200x256xf32>
    %add3A = vector.broadcast %broadcast_in_dim3A_26 : vector<1x200x256xf32> to vector<16x200x256xf32>
    %add3A_27 = arith.addf %reshape3A_22, %add3A : vector<16x200x256xf32>
    %reduce_sum3A = arith.constant dense<0.000000e+00> : vector<16x200xf32>
    %reduce_sum3A_28 = vector.multi_reduction <add>, %add3A_27, %reduce_sum3A [2] : vector<16x200x256xf32> to vector<16x200xf32>
    %broadcast_in_dim3A_29 = vector.shape_cast %reduce_sum3A_28 : vector<16x200xf32> to vector<16x200x1xf32>
    %div3A = arith.constant 2.560000e+02 : f32
    %div3A_30 = vector.broadcast %div3A : f32 to vector<16x200x1xf32>
    %div3A_31 = arith.divf %broadcast_in_dim3A_29, %div3A_30 : vector<16x200x1xf32>
    %sub3A = vector.broadcast %div3A_31 : vector<16x200x1xf32> to vector<16x200x256xf32>
    %sub3A_32 = arith.subf %add3A_27, %sub3A : vector<16x200x256xf32>
    %mul3A_33 = arith.mulf %sub3A_32, %sub3A_32 : vector<16x200x256xf32>
    %reduce_sum3A_34 = arith.constant dense<0.000000e+00> : vector<16x200xf32>
    %reduce_sum3A_35 = vector.multi_reduction <add>, %mul3A_33, %reduce_sum3A_34 [2] : vector<16x200x256xf32> to vector<16x200xf32>
    %broadcast_in_dim3A_36 = vector.shape_cast %reduce_sum3A_35 : vector<16x200xf32> to vector<16x200x1xf32>
    %div3A_37 = arith.constant 2.560000e+02 : f32
    %div3A_38 = vector.broadcast %div3A_37 : f32 to vector<16x200x1xf32>
    %div3A_39 = arith.divf %broadcast_in_dim3A_36, %div3A_38 : vector<16x200x1xf32>
    %add3A_40 = arith.constant 9.99999974E-6 : f32
    %add3A_41 = vector.broadcast %add3A_40 : f32 to vector<16x200x1xf32>
    %add3A_42 = arith.addf %div3A_39, %add3A_41 : vector<16x200x1xf32>
    %rsqrt3A = math.rsqrt %add3A_42 : vector<16x200x1xf32>
    %mul3A_43 = vector.broadcast %rsqrt3A : vector<16x200x1xf32> to vector<16x200x256xf32>
    %mul3A_44 = arith.mulf %sub3A_32, %mul3A_43 : vector<16x200x256xf32>
    %get3A_45 = arith.constant 0 : index
    %get3A_46 = arith.constant 0 : index
    %get3A_47 = vector.load %arg5[%get3A_45, %get3A_46] : memref<1x256xf32, #tpu.memory_space<vmem>>, vector<1x256xf32>
    %reshape3A_48 = vector.shape_cast %get3A_47 : vector<1x256xf32> to vector<1x1x256xf32>
    %mul3A_49 = vector.broadcast %reshape3A_48 : vector<1x1x256xf32> to vector<16x200x256xf32>
    %mul3A_50 = arith.mulf %mul3A_44, %mul3A_49 : vector<16x200x256xf32>
    %get3A_51 = arith.constant 0 : index
    %get3A_52 = arith.constant 0 : index
    %get3A_53 = vector.load %arg6[%get3A_51, %get3A_52] : memref<1x256xf32, #tpu.memory_space<vmem>>, vector<1x256xf32>
    %reshape3A_54 = vector.shape_cast %get3A_53 : vector<1x256xf32> to vector<1x1x256xf32>
    %add3A_55 = vector.broadcast %reshape3A_54 : vector<1x1x256xf32> to vector<16x200x256xf32>
    %add3A_56 = arith.addf %mul3A_50, %add3A_55 : vector<16x200x256xf32>
    %swap3A = arith.constant 0 : index
    %swap3A_57 = arith.constant 0 : index
    %swap3A_58 = arith.constant 0 : index
    %swap3A_59 = vector.load %arg7[%swap3A, %swap3A_57, %swap3A_58] : memref<16x200x256xf32, #tpu.memory_space<vmem>>, vector<16x200x256xf32>
    tpu.vector_store %arg7[%swap3A, %swap3A_57, %swap3A_58], %add3A_56 {strides = array<i32>} : memref<16x200x256xf32, #tpu.memory_space<vmem>>, vector<16x200x256xf32>,
    return
  }
  func.func @transform_0(%arg0: i32) -> (i32, i32) {
    %c0_i32 = arith.constant 0 : i32
    %c0_i32_0 = arith.constant 0 : i32
    return %arg0, %c0_i32 : i32, i32
  }
  func.func @transform_1(%arg0: i32) -> (i32, i32) {
    %c0_i32 = arith.constant 0 : i32
    %c0_i32_0 = arith.constant 0 : i32
    return %arg0, %c0_i32 : i32, i32
  }
  func.func @transform_2(%arg0: i32) -> (i32, i32) {
    %c0_i32 = arith.constant 0 : i32
    %c0_i32_0 = arith.constant 0 : i32
    %c0_i32_1 = arith.constant 0 : i32
    return %c0_i32, %c0_i32_0 : i32, i32
  }
  func.func @transform_3(%arg0: i32) -> (i32, i32) {
    %c0_i32 = arith.constant 0 : i32
    %c0_i32_0 = arith.constant 0 : i32
    %c0_i32_1 = arith.constant 0 : i32
    return %c0_i32, %c0_i32_0 : i32, i32
  }
  func.func @transform_4(%arg0: i32) -> (i32, i32) {
    %c0_i32 = arith.constant 0 : i32
    %c0_i32_0 = arith.constant 0 : i32
    %c0_i32_1 = arith.constant 0 : i32
    return %c0_i32, %c0_i32_0 : i32, i32
  }
  func.func @transform_5(%arg0: i32) -> (i32, i32) {
    %c0_i32 = arith.constant 0 : i32
    %c0_i32_0 = arith.constant 0 : i32
    %c0_i32_1 = arith.constant 0 : i32
    return %c0_i32, %c0_i32_0 : i32, i32
  }
  func.func @transform_6(%arg0: i32) -> (i32, i32, i32) {
    %c0_i32 = arith.constant 0 : i32
    %c0_i32_0 = arith.constant 0 : i32
    %c0_i32_1 = arith.constant 0 : i32
    return %arg0, %c0_i32, %c0_i32_0 : i32, i32, i32
  }
}

</mosaic_0001>

<sc_bundles>
// kernel: kernel.4.cloned.1.call-start
scs
__scs_entry_jumppad:
0x0: {  	(pc) =	sbr.rel $0x88, $3  }
0x1: {  	(tag) =	ssettag $0x0;
	lr =	simm.s32 $0x1  }
0x2: {  	[smem:$0x3F9B] =	sst lr;
	_ =	strace $0xD0000000  }
0x3: {  	_ = 	snop  }
0x4: {  	_ = 	snop  }
0x5: {  	_ = 	snop  }
0x6: {  	_ = 	snop  }
0x7: {  	_ = 	snop  }
__scs_overlays_trampoline_lowered:
0x8: {  	[smem:$0x3FAA] =	sst s0  }
0x9: {  	[smem:$0x3FAB] =	sst s1  }
0xa: {  	[smem:$0x3FAC] =	sst s2  }
0xb: {  	[smem:$0x3FAD] =	sst s3  }
0xc: {  	[smem:$0x3FAE] =	sst s4  }
0xd: {  	[smem:$0x3FAF] =	sst s5  }
0xe: {  	[smem:$0x3FB0] =	sst s6  }
0xf: {  	[smem:$0x3FB1] =	sst s7  }
0x10: {  	[smem:$0x3FB2] =	sst s8  }
0x11: {  	[smem:$0x3FB3] =	sst s9;
	s0 =	simm.s32 @!p0 $0x0  }
0x12: {  	s1 =	sld [smem:$0x3F99];
	s0 =	simm.s32 @p0 $0x1  }
0x13: {  	[smem:$0x3FB4] =	sst s0;
	s0 =	simm.s32 @!p1 $0x0  }
0x14: {  	s2 =	sld [smem:$0x3F98];
	s0 =	simm.s32 @p1 $0x1  }
0x15: {  	[smem:$0x3FB5] =	sst s0;
	s0 =	simm.s32 @!p2 $0x0  }
0x16: {  	s3 =	sld [smem:$0x3FDB];
	s0 =	simm.s32 @p2 $0x1  }
0x17: {  	s4 =	simm.s32 $0x1BF5;
	[smem:$0x3FB7] =	sst s0  }
0x18: {  	s0 =	sld [smem:$0x3F9A];
	_ =	swait.ge [sflag:s4], $0x0  }
0x19: {  	s7 =	sld [smem:$0x3F9B]  }
0x1a: {  	s8 =	sadd.s32 $0xFFFFE003, lr  }
0x1b: {  	s9 =	sadd.s32 $0xFFFFFEF7, lr;
	s5 =	simm.s32 $0xFFFFFFFF;
	p2 =	slt.u32 s8, $0xFFFFF086  }
0x1c: {  	p1 =	slt.u32 s9, $0xF7A;
	s5 =	simm.s32 @!p2 $0x0  }
0x1d: {  	s5 =	simm.s32 @p1 $0x1;
	p0 =	seq.s32 s7, s2  }
0x1e: {  	s7 =	smul.u32 @!p0 $0xF7A, s2;
	p2 =	seq.s32 @!p0 s5, $0x0  }
0x1f: {  	s9 =	smul.u32 $0xF7A, s1;
	s8 =	simm.s32 @!p0 $0x1BF5;
	p2 =	por !p2, p0  }
0x20: {  	[sflag:s8] =	ssyncset.s32 @!p0 $0xFFFFF086;
	s6 =	sadd.s32 @!p0 s3, s7;
	s7 =	simm.s32 @!p0 $0x108  }
0x21: {  	s3 =	sadd.s32 s3, s9;
	s6 =	sadd.s32 @!p0 $0x88, s6;
	s7 =	simm.s32 @p2 $0x1082  }
0x22: {  	[simem:s7], [sflag:s8] =	dma.local @!p0 [hbm:s6], $0xF7A  }
0x23: {  	s9 =	sor.u32 $0xD0000000, s2;
	s6 =	simm.s32 $0x108;
	_ =	swait.ge @!p0 [sflag:s8], $0x0  }
0x24: {  	s3 =	sadd.s32 $0x88, s3;
	s6 =	simm.s32 @!p1 $0x1082;
	[sflag:s4] =	ssyncset.s32 $0xFFFFF086  }
0x25: {  	[simem:s6], [sflag:s4] =	dma.local [hbm:s3], $0xF7A  }
0x26: {  	[smem:$0x3F9B] =	sst s1;
	(tag) =	ssettag s2;
	_ =	strace s9  }
0x27: {  	s1 =	sld [smem:$0x3FAB]  }
0x28: {  	s2 =	sld [smem:$0x3FAC]  }
0x29: {  	s4 =	sld [smem:$0x3FAE]  }
0x2a: {  	p0 =	seq.s32 s5, $0x0;
	s5 =	sld [smem:$0x3FAF]  }
0x2b: {  	s6 =	sld [smem:$0x3FB0]  }
0x2c: {  	s7 =	sld [smem:$0x3FB1]  }
0x2d: {  	s3 =	simm.s32 $0x108;
	s8 =	sld [smem:$0x3FB2]  }
0x2e: {  	s3 =	simm.s32 @!p0 $0x1082;
	s9 =	sld [smem:$0x3FB3]  }
0x2f: {  	lr =	sadd.s32 s0, s3;
	s0 =	sld [smem:$0x3FAA]  }
0x30: {  	s3 =	sld [smem:$0x3FAD]  }
0x31: {  	[smem:$0x3FB6] =	sst s10  }
0x32: {  	s10 =	sld [smem:$0x3FB4];
	_ =	sdelay $0x3  }
0x33: {  	p0 =	seq.s32 s10, $0x1;
	s10 =	sld [smem:$0x3FB6];
	_ =	sdelay $0x3  }
0x34: {  	[smem:$0x3FB6] =	sst s10  }
0x35: {  	s10 =	sld [smem:$0x3FB5];
	_ =	sdelay $0x3  }
0x36: {  	p1 =	seq.s32 s10, $0x1;
	s10 =	sld [smem:$0x3FB6];
	_ =	sdelay $0x3  }
0x37: {  	[smem:$0x3FB6] =	sst s10  }
0x38: {  	s10 =	sld [smem:$0x3FB7]  }
0x39: {  	_ = 	snop;
	(pc) =	sbr.ind lr, $3  }
0x3a: {  	_ = 	snop  }
0x3b: {  	_ = 	snop  }
0x3c: {  	p2 =	seq.s32 s10, $0x1;
	s10 =	sld [smem:$0x3FB6]  }
0x3d: {  	_ =	shalt  }
0x3e: {  	_ =	shalt  }
0x3f: {  	_ =	shalt  }
0x40: {  	_ =	shalt  }
0x41: {  	_ =	shalt  }
0x42: {  	_ =	shalt  }
0x43: {  	_ =	shalt  }
0x44: {  	_ =	shalt  }
0x45: {  	_ =	shalt  }
0x46: {  	_ =	shalt  }
0x47: {  	_ =	shalt  }
0x48: {  	_ =	shalt  }
0x49: {  	_ =	shalt  }
0x4a: {  	_ =	shalt  }
0x4b: {  	_ =	shalt  }
0x4c: {  	_ =	shalt  }
0x4d: {  	_ =	shalt  }
0x4e: {  	_ =	shalt  }
0x4f: {  	_ =	shalt  }
0x50: {  	_ =	shalt  }
0x51: {  	_ =	shalt  }
0x52: {  	_ =	shalt  }
0x53: {  	_ =	shalt  }
0x54: {  	_ =	shalt  }
0x55: {  	_ =	shalt  }
0x56: {  	_ =	shalt  }
0x57: {  	_ =	shalt  }
0x58: {  	_ =	shalt  }
0x59: {  	_ =	shalt  }
0x5a: {  	_ =	shalt  }
0x5b: {  	_ =	shalt  }
0x5c: {  	_ =	shalt  }
0x5d: {  	_ =	shalt  }
0x5e: {  	_ =	shalt  }
0x5f: {  	_ =	shalt  }
0x60: {  	_ =	shalt  }
0x61: {  	_ =	shalt  }
0x62: {  	_ =	shalt  }
0x63: {  	_ =	shalt  }
0x64: {  	_ =	shalt  }
0x65: {  	_ =	shalt  }
0x66: {  	_ =	shalt  }
0x67: {  	_ =	shalt  }
0x68: {  	_ =	shalt  }
0x69: {  	_ =	shalt  }
0x6a: {  	_ =	shalt  }
0x6b: {  	_ =	shalt  }
0x6c: {  	_ =	shalt  }
0x6d: {  	_ =	shalt  }
0x6e: {  	_ =	shalt  }
0x6f: {  	_ =	shalt  }
0x70: {  	_ =	shalt  }
0x71: {  	_ =	shalt  }
0x72: {  	_ =	shalt  }
0x73: {  	_ =	shalt  }
0x74: {  	_ =	shalt  }
0x75: {  	_ =	shalt  }
0x76: {  	_ =	shalt  }
0x77: {  	_ =	shalt  }
0x78: {  	_ =	shalt  }
0x79: {  	_ =	shalt  }
0x7a: {  	_ =	shalt  }
0x7b: {  	_ =	shalt  }
0x7c: {  	_ =	shalt  }
0x7d: {  	_ =	shalt  }
0x7e: {  	_ =	shalt  }
0x7f: {  	_ =	shalt  }
0x80: {  	_ =	shalt  }
0x81: {  	_ =	shalt  }
0x82: {  	_ =	shalt  }
0x83: {  	_ =	shalt  }
0x84: {  	_ =	shalt  }
0x85: {  	_ =	shalt  }
0x86: {  	_ =	shalt  }
0x87: {  	_ =	shalt  }
.Lfunc_end0:
.L_simem_size_0:
called_computation_lowered:
.L_overlay_start_0:
0x88: {  	s2 =	sld [smem:$0x3FD9]  }
0x89: {  	s3 =	sld [smem:$0x3FFE];
	_ =	sdelay $0x1  }
0x8a: {  	s1 =	srdreg.scid  }
0x8b: {  	s0 =	sand.u32 $0x1, s1  }
0x8c: {  	s17 =	sshll.u32 s0, $0xA;
	s2 =	sadd.s32 s3, s2  }
0x8d: {  	s2 =	sadd.s32 s2, s17  }
0x8e: {  	[smem:$0x3FC2] =	sst s2  }
0x8f: {  	_ = 	snop  }
0x90: {  	s2 =	sld [smem:$0x3FD0];
	(tm) =	ssettm $0x1  }
0x91: {  	s18 =	sld [smem:$0x3FFB];
	_ =	sdelay $0x3  }
0x92: {  	_ =	strace s18  }
0x93: {  	s3 =	sld [smem:$0x3FFC];
	_ =	sdelay $0x3  }
0x94: {  	_ =	strace s3  }
0x95: {  	s3 =	sld [smem:$0x3FFD];
	_ =	sdelay $0x3  }
0x96: {  	_ =	strace s3  }
0x97: {  	_ =	strace $0x8FFFFFFF  }
0x98: {  	s19 =	sld [smem:$0x3FDB];
	_ =	sdelay $0x1  }
0x99: {  	s4 =	simm.s32 $_scs_section_size  }
0x9a: {  	s5 =	simm.s32 $_size__tile_overlayer_lowered;
	s6 =	simm.s32 $_tile_overlayer_lowered  }
0x9b: {  	s22 =	simm.s32 $0x1BFF;
	s21 =	sshll.u32 s6, $0x1;
	s3 =	sadd.s32 s4, s19  }
0x9c: {  	s7 =	simm.s32 $0x0;
	s20 =	sshll.u32 s5, $0x1;
	s5 =	sadd.s32 s21, s3  }
0x9d: {  	[timem:s7], [sflag:s22] =	dma.local [hbm:s5], s20  }
0x9e: {  	_ =	swait.ge [sflag:s22], s20  }
0x9f: {  	s4 =	ssub.s32 $0x0, s20;
	[sflag:s22] =	ssyncset.done $0x0  }
0xa0: {  	[sflag:s22] =	ssyncadd.s32 s4;
	_ =	sdelay $0x1  }
0xa1: {  	s23 =	simm.s32 $0x1B8B  }
0xa2: {  	_ =	swait.ge [sflag:s23], $0x1  }
0xa3: {  	[sflag:s23] =	ssyncset.done $0x0  }
0xa4: {  	s25 =	simm.s32 $0x1B8E;
	s24 =	sld [smem:$0x3FFE];
	[sflag:s23] =	ssyncadd.s32 $0xFFFFFFFF  }
0xa5: {  	s26 =	simm.s32 $execute0_lowered;
	[smem:$0x3FD2] =	sst s25  }
0xa6: {  	s5 =	sshll.u32 s26, $0x1;
	_ =	strace $0x80000046;
	[dreg:$0x1] =	wrdreg $0xFFFFFFFF  }
0xa7: {  	s28 =	simm.s32 $_size_execute0_lowered;
	s3 =	sadd.s32 s3, s5;
	[dreg:$0x0] =	wrdreg $0x0  }
0xa8: {  	s5 =	sshll.u32 s28, $0x1;
	[dreg:$0x2] =	wrdreg s3  }
0xa9: {  	[dreg:$0x3] =	wrdreg s5  }
0xaa: {  	[dreg:$0x4] =	wrdreg $0xC0  }
0xab: {  	_ =	task [dreg:s7], $0x5FFFF  }
0xac: {  	[dreg:$0x1] =	wrdreg $0xFFFFFFFF  }
0xad: {  	[dreg:$0x0] =	wrdreg $0x60  }
0xae: {  	[dreg:$0x2] =	wrdreg s2  }
0xaf: {  	[dreg:$0x3] =	wrdreg s24  }
0xb0: {  	[dreg:$0x4] =	wrdreg $0x9  }
0xb1: {  	_ =	task.clear_ibuf [dreg:s7], $0x5FFFF;
	_ =	strace $0x90000046  }
0xb2: {  	s29 =	simm.s32 $0x9;
	_ =	strace $0x80000048  }
0xb3: {  	_ =	swait.ge [sflag:s29], $0x1  }
0xb4: {  	[sflag:s29] =	ssyncadd.s32 $0xFFFFFFFF  }
0xb5: {  	_ =	strace $0x90000048  }
0xb6: {  	_ =	sfence  }
0xb7: {  	s30 =	sld [smem:$0x0];
	_ =	sdelay $0x2  }
0xb8: {  	s31 =	sshll.u32 s1, $0xD;
	s1 =	sshrl.u32 s1, $0x2  }
0xb9: {  	s3 =	sand.u32 $0x4000, s31;
	s1 =	sadd.s32 s1, s30  }
0xba: {  	s0 =	sor.u32 s3, s0;
	s1 =	sshll.u32 s1, $0x11  }
0xbb: {  	s0 =	sor.u32 s1, s0  }
0xbc: {  	s0 =	sadd.s32 $0x8F2B, s0  }
0xbd: {  	[sflag:s0] =	ssyncadd.remote.s32 $0x1  }
0xbe: {  	_ =	sfence.sel $0xFFFF  }
0xbf: {  	[dreg:$0x0] =	wrdreg $0xFFFFFFFF;
	(pc) =	sbr.abs _section_cstart, $3  }
0xc0: {  	[dreg:$0x1] =	wrdreg $0xFFFFFFFF  }
0xc1: {  	_ =	task.clear_ibuf [dreg:s7], $0x2FFFF;
	_ =	strace $0x9FFFFFFF  }
0xc2: {  	(tm) =	ssettm $0x7FFFFFFF  }
0xc3: {  	_ =	shalt  }
tec
execute0_lowered:
.L_overlay_start_1:
0x0: {  	(tag) =	ssettag $0x1  }
0x1: {  	s0 =	srdreg.scid;
	s1 =	rddreg [dreg:$0x0]  }
0x2: {  	s10 =	stileid.u32;
	s4 =	rddreg [dreg:$0x1]  }
0x3: {  	s11 =	simm.s32 $0xB;
	s12 =	simm.s32 $0x80;
	s13 =	simm.s32 $0x1900  }
0x4: {  	s14 =	simm.s32 $0x5900;
	s16 =	simm.s32 $0x9900;
	s17 =	simm.s32 $0x1  }
0x5: {  	s28 =	simm.s32 $0x9;
	s29 =	simm.s32 $0xA;
	s7 =	smul.u32 $0x190000, s10  }
0x6: {  	s0 =	sand.u32 $0x1, s0;
	s2 =	sshll.u32 s10, $0x1;
	s18 =	smul.u32 $0x32000, s10  }
0x7: {  	s30 =	simm.s32 $0x0;
	s3 =	sor.u32 s0, s2;
	s9 =	smul.u32 $0xC8000, s0  }
0x8: {  	s2 =	simm.s32 $0x0;
	s6 =	ssub.s32 $0x2, s0;
	s0 =	smul.u32 $0x19000, s0  }
0x9: {  	s5 =	smul.u32 $0x1900, s3;
	[smem:$0x7FF] =	sst s2;
	s3 =	sadd.s32 $0xF43200, s4  }
0xa: {  	s8 =	sshrl.u32 s6, $0x1;
	s4 =	sadd.s32 $0xE00, s4;
	_ =	strace $0x80000047  }
0xb: {  	s6 =	ssub.s32 s6, s8;
	s7 =	sadd.s32 s9, s7;
	s21 =	sadd.s32 s18, s4  }
0xc: {  	s18 =	simm.s32 $0xD900;
	s5 =	sshrl.u32 s5, $0x3;
	s19 =	sadd.s32 $0x10000, s7  }
0xd: {  	s20 =	smax.u32 s6, $0x1;
	s0 =	sadd.s32 s0, s21;
	s23 =	sadd.s32 $0xC000, s7  }
0xe: {  	s24 =	sadd.s32 $0x8000, s7;
	s25 =	sor.u32 $0x4000, s7;
	[dreg:$0x4] =	wrdreg s20  }
0xf: {  	s21 =	simm.s32 $0x3;
	s1 =	sadd.s32 s1, s5;
	[dreg:$0x5] =	wrdreg s0  }
0x10: {  	s0 =	sshrl.u32 s23, $0x3;
	s5 =	sshrl.u32 s25, $0x3;
	s20 =	simm.s32 $0x11900  }
0x11: {  	s23 =	simm.s32 $0x5;
	s25 =	simm.s32 $0x7;
	[dreg:$0x3] =	wrdreg s1  }
.Ltmp0:
0x12: {  	s1 =	sshrl.u32 s19, $0x3;
	s0 =	sadd.s32 s0, s4;
	(pc) =	sbr.rel .LBB2_1-.Ltmp0, $4  }
0x13: {  	s31 =	sadd.s32 s5, s4;
	s19 =	simm.s32 $0x2;
	[dreg:$0x7] =	wrdreg s0  }
0x14: {  	s22 =	sadd.s32 s1, s4;
	s1 =	sshrl.u32 s24, $0x3;
	[dreg:$0x9] =	wrdreg s31  }
0x15: {  	s24 =	simm.s32 $0x6;
	[dreg:$0x6] =	wrdreg s22;
	s26 =	sadd.s32 s1, s4  }
0x16: {  	s22 =	simm.s32 $0x4;
	[dreg:$0x8] =	wrdreg s26;
	s26 =	simm.s32 $0x8  }
.LBB2_4:
0x17: {  	_ =	swait.ge [sflag:s24], $0x4000  }
0x18: {  	[sflag:s24] =	ssyncset.done $0x0  }
0x19: {  	[sflag:s24] =	ssyncadd.s32 $0xFFFFC000  }
0x1a: {  	_ =	swait.ge [sflag:s25], $0x4000  }
0x1b: {  	[sflag:s25] =	ssyncset.done $0x0  }
0x1c: {  	[sflag:s25] =	ssyncadd.s32 $0xFFFFC000  }
0x1d: {  	_ =	swait.ge [sflag:s26], $0x4000  }
0x1e: {  	[sflag:s26] =	ssyncset.done $0x0  }
0x1f: {  	[sflag:s26] =	ssyncadd.s32 $0xFFFFC000  }
0x20: {  	_ =	swait.ge [sflag:s28], $0x4000  }
0x21: {  	[sflag:s28] =	ssyncset.done $0x0  }
0x22: {  	[sflag:s28] =	ssyncadd.s32 $0xFFFFC000  }
0x23: {  	_ =	swait.ge [sflag:s29], $0x4000  }
0x24: {  	s30 =	sadd.s32 $0x1, s30;
	s0 =	rddreg [dreg:$0x4]  }
0x25: {  	p0 =	sne.s32 s30, s0  }
.Ltmp1:
0x26: {  	_ = 	snop;
	(pc) =	sbr.rel @!p0 .LBB2_5-.Ltmp1, $3  }
0x27: {  	_ =	sdelay $0x1  }
0x28: {  	[sflag:s29] =	ssyncset.done $0x0  }
0x29: {  	[sflag:s29] =	ssyncadd.s32 $0xFFFFC000  }
.LBB2_1:
0x2a: {  	s0 =	rddreg [dreg:$0x3]  }
0x2b: {  	[tilespmem:s2], [sflag:$0xB] =	stream.linear.gather [hbm4b:s0+s2], $0x1900, $0x38;
	[tilespmem:$0x15900] =	vst v63  }
0x2c: {  	_ =	swait.ge [sflag:s11], $0x1900  }
0x2d: {  	s31 =	rddreg [dreg:$0x9]  }
0x2e: {  	[sflag:s11] =	ssyncset.done $0x0;
	s9 =	rddreg [dreg:$0x8]  }
0x2f: {  	s8 =	rddreg [dreg:$0x7];
	[sflag:s11] =	ssyncadd.s32 $0xFFFFE700  }
0x30: {  	[tilespmem:s13], [sflag:$0x1] =	stream.indirect.gather [hbm4b:s3+s12], $0x80, s2, s12, $0xb8;
	[tilespmem:$0x15900] =	vst v63  }
0x31: {  	s7 =	rddreg [dreg:$0x6]  }
0x32: {  	[tilespmem:s14], [sflag:$0x2] =	stream.indirect.gather [hbm4b:s3+s12], $0x80, s12, s12, $0xb8;
	[tilespmem:$0x15900] =	vst v63  }
0x33: {  	s15 =	simm.s32 $0x100;
	s5 =	simm.s32 $0x0;
	s6 =	rddreg [dreg:$0x5]  }
0x34: {  	[tilespmem:s16], [sflag:$0x3] =	stream.indirect.gather [hbm4b:s3+s12], $0x80, s15, s12, $0xb8;
	[tilespmem:$0x15900] =	vst v63  }
.LBB2_2:
0x35: {  	_ =	swait.ge [sflag:s17], $0x4000  }
0x36: {  	p0 =	seq.s32 s5, $0x0;
	[sflag:s17] =	ssyncset.done $0x0  }
0x37: {  	s15 =	simm.s32 @!p0 $0x9;
	[sflag:s17] =	ssyncadd.s32 $0xFFFFC000  }
0x38: {  	[hbm4b:s6+s2] =	stream.linear.scatter [tilespmem:s13], [sflag:$0x6], $0x4000, $0x38;
	[tilespmem:$0x15900] =	vst v63  }
0x39: {  	_ =	swait.ge @!p0 [sflag:s15], $0x4000  }
0x3a: {  	s4 =	sshra.s32 s5, $0x2;
	[sflag:s15] =	ssyncset.done @!p0 $0x0  }
0x3b: {  	s1 =	sadd.s32 $0x180, s4;
	[sflag:s15] =	ssyncadd.s32 @!p0 $0xFFFFC000  }
0x3c: {  	[tilespmem:s18], [sflag:$0x4] =	stream.indirect.gather [hbm4b:s3+s12], $0x80, s1, s12, $0xb8;
	[tilespmem:$0x15900] =	vst v63  }
0x3d: {  	_ =	swait.ge [sflag:s19], $0x4000  }
0x3e: {  	[sflag:s19] =	ssyncset.done $0x0  }
0x3f: {  	s15 =	simm.s32 @!p0 $0xA;
	[sflag:s19] =	ssyncadd.s32 $0xFFFFC000  }
0x40: {  	[hbm4b:s31+s2] =	stream.linear.scatter [tilespmem:s14], [sflag:$0x7], $0x4000, $0x38;
	[tilespmem:$0x15900] =	vst v63  }
0x41: {  	_ =	swait.ge @!p0 [sflag:s15], $0x4000  }
0x42: {  	[sflag:s15] =	ssyncset.done @!p0 $0x0  }
0x43: {  	s10 =	sadd.s32 $0x200, s4;
	[sflag:s15] =	ssyncadd.s32 @!p0 $0xFFFFC000  }
0x44: {  	[tilespmem:s20], [sflag:$0x5] =	stream.indirect.gather [hbm4b:s3+s12], $0x80, s10, s12, $0xb8;
	[tilespmem:$0x15900] =	vst v63  }
0x45: {  	_ =	swait.ge [sflag:s21], $0x4000  }
0x46: {  	p0 =	seq.s32 s5, $0x5A00;
	[sflag:s21] =	ssyncset.done $0x0  }
0x47: {  	s15 =	simm.s32 @!p0 $0x6;
	[sflag:s21] =	ssyncadd.s32 $0xFFFFC000  }
0x48: {  	[hbm4b:s9+s2] =	stream.linear.scatter [tilespmem:s16], [sflag:$0x8], $0x4000, $0x38;
	[tilespmem:$0x15900] =	vst v63  }
0x49: {  	_ =	swait.ge @!p0 [sflag:s15], $0x4000  }
0x4a: {  	[sflag:s15] =	ssyncset.done @!p0 $0x0  }
0x4b: {  	[sflag:s15] =	ssyncadd.s32 @!p0 $0xFFFFC000;
	s15 =	sshra.s32 @!p0 s5, $0x2  }
0x4c: {  	s1 =	simm.s32 @!p0 $0x80;
	s10 =	simm.s32 @!p0 $0x1900;
	s0 =	sadd.s32 @!p0 $0x280, s15  }
0x4d: {  	[tilespmem:s10], [sflag:$0x1] =	stream.indirect.gather @!p0 [hbm4b:s3+s1], $0x80, s0, s1, $0xb8;
	[tilespmem:$0x15900] =	vst v63  }
0x4e: {  	_ =	swait.ge [sflag:s22], $0x4000  }
0x4f: {  	[sflag:s22] =	ssyncset.done $0x0  }
0x50: {  	s0 =	simm.s32 @!p0 $0x7;
	[sflag:s22] =	ssyncadd.s32 $0xFFFFC000  }
0x51: {  	[hbm4b:s8+s2] =	stream.linear.scatter [tilespmem:s18], [sflag:$0x9], $0x4000, $0x38;
	[tilespmem:$0x15900] =	vst v63  }
0x52: {  	_ =	swait.ge @!p0 [sflag:s0], $0x4000  }
0x53: {  	[sflag:s0] =	ssyncset.done @!p0 $0x0  }
0x54: {  	s10 =	simm.s32 @!p0 $0x5900;
	[sflag:s0] =	ssyncadd.s32 @!p0 $0xFFFFC000;
	s0 =	sadd.s32 @!p0 $0x300, s15  }
0x55: {  	[tilespmem:s10], [sflag:$0x2] =	stream.indirect.gather @!p0 [hbm4b:s3+s1], $0x80, s0, s1, $0xb8;
	[tilespmem:$0x15900] =	vst v63  }
.Ltmp2:
0x56: {  	_ = 	snop;
	(pc) =	sbr.rel @p0 .LBB2_4-.Ltmp2, $4  }
0x57: {  	_ =	swait.ge [sflag:s23], $0x4000  }
0x58: {  	[sflag:s23] =	ssyncset.done $0x0  }
0x59: {  	[sflag:s23] =	ssyncadd.s32 $0xFFFFC000  }
0x5a: {  	[hbm4b:s7+s2] =	stream.linear.scatter [tilespmem:s20], [sflag:$0xA], $0x4000, $0x38;
	[tilespmem:$0x15900] =	vst v63  }
.Ltmp3:
0x5b: {  	_ =	swait.ge [sflag:s26], $0x4000;
	(pc) =	sbr.rel .LBB2_2-.Ltmp3, $4  }
0x5c: {  	s0 =	sadd.s32 $0x380, s4;
	s5 =	sadd.s32 $0xA00, s5;
	s6 =	sadd.s32 $0x2800, s6  }
0x5d: {  	s7 =	sadd.s32 $0x2800, s7;
	s8 =	sadd.s32 $0x2800, s8;
	[sflag:s26] =	ssyncset.done $0x0  }
0x5e: {  	s9 =	sadd.s32 $0x2800, s9;
	s31 =	sadd.s32 $0x2800, s31;
	[sflag:s26] =	ssyncadd.s32 $0xFFFFC000  }
0x5f: {  	[tilespmem:s16], [sflag:$0x3] =	stream.indirect.gather [hbm4b:s3+s12], $0x80, s0, s12, $0xb8;
	[tilespmem:$0x15900] =	vst v63  }
.LBB2_5:
0x60: {  	_ =	sfence.sel $0x180000  }
0x61: {  	[bflag:$0x0] =	sbarrier.arrive $0xFFFF  }
0x62: {  	_ =	strace $0x90000047  }
0x63: {  	s0 =	stileid.u32;
	[bflag:$0x2] =	sbarrier.arrive $0xFFFF  }
0x64: {  	p0 =	sne.s32 s0, $0x0;
	s0 =	rddreg [dreg:$0x2]  }
0x65: {  	s0 =	sadd.s32 @!p0 $0x100000, s0  }
0x66: {  	[sflag:s0] =	ssyncadd.tile.s32 @!p0 $0x1;
	_ =	shalt  }
.Lfunc_end2:
_tile_overlayer_lowered:
.L_overlay_start_2:
0x67: {  	(tag) =	ssettag $0x2  }
0x68: {  	s0 =	rddreg [dreg:$0x0];
	s2 =	stileid.u32  }
0x69: {  	s1 =	rddreg [dreg:$0x1];
	p0 =	sne.s32 s2, $0x0  }
0x6a: {  	s3 =	rddreg [dreg:$0x2];
	[bflag:$0x3] =	sbarrier.arrive $0xFFFF;
	s2 =	simm.s32 @!p0 $0x1C0B  }
0x6b: {  	[timem:s3], [sflag:s2] =	dma.local @!p0 [hbm:s0], s1  }
0x6c: {  	s0 =	simm.s32 @!p0 $0xB  }
0x6d: {  	_ =	swait.ge @!p0 [sflag:s0], s1  }
0x6e: {  	s1 =	ssub.s32 @!p0 $0x0, s1;
	[sflag:s0] =	ssyncset.done @!p0 $0x0  }
0x6f: {  	[sflag:s0] =	ssyncadd.s32 @!p0 s1  }
0x70: {  	[bflag:$0x3] =	sbarrier.arrive $0xFFFF  }
0x71: {  	_ =	shalt  }

</sc_bundles>
